<compile_context>
chip_gen: v7x
topology: tpu7x:2x2x1
jax: 0.10.2.dev20260603
libtpu: 0.0.44.dev20260713+nightly
codegen_flags: <defaults>
</compile_context>

<pallas_src>
import functools

import jax
import jax.numpy as jnp
from jax import lax
from jax.experimental import pallas as pl
from jax.experimental.pallas import tpu as pltpu
from jax.experimental.pallas import tpu_sc as plsc

VOCAB = 1000
N_EMBD = 32
TE = 128
B, T = 1024, 200

NC, NS = 2, 16
NW = NC * NS
BB = 128
NBLK = B // BB
NU = T * NBLK // NW
NR = 2

BB2 = 1024


def _emb_gather_body(tab_hbm, idxt_hbm, emb_hbm,
                     idxb0, idxb1, buf0, buf1,
                     semi0, semi1, semg0, semg1, semw0, semw1):
    idxb = (idxb0, idxb1)
    buf = (buf0, buf1)
    semi = (semi0, semi1)
    semg = (semg0, semg1)
    semw = (semw0, semw1)

    wid = lax.axis_index("s") * NC + lax.axis_index("c")
    u0 = wid * NU

    def t_of(u):
        return (u0 + u) // NBLK

    def off_of(u):
        return ((u0 + u) % NBLK) * BB

    def issue_idx(u, k):
        pltpu.async_copy(idxt_hbm.at[t_of(u), pl.ds(off_of(u), BB)], idxb[k],
                         semi[k])

    def wait_idx(u, k):
        pltpu.make_async_copy(idxt_hbm.at[t_of(u), pl.ds(off_of(u), BB)],
                              idxb[k], semi[k]).wait()

    def issue_gather(k):
        pltpu.async_copy(tab_hbm.at[idxb[k]], buf[k], semg[k])

    def wait_gather(k):
        pltpu.make_async_copy(tab_hbm.at[idxb[k]], buf[k], semg[k]).wait()

    def out_ref(u):
        return emb_hbm.at[t_of(u), pl.ds(off_of(u), BB)]

    def wait_write(u, k):
        pltpu.make_async_copy(buf[k], out_ref(u), semw[k]).wait()

    def visit(u, k):
        kn = (k + 1) % NR
        @pl.when(u >= 1)
        def _():
            wait_write(u - 1, kn)

        @pl.when(u + 1 < NU)
        def _():
            wait_idx(u + 1, kn)
            issue_gather(kn)

        wait_gather(k)
        pltpu.async_copy(buf[k], out_ref(u), semw[k])

        @pl.when(u + 2 < NU)
        def _():
            issue_idx(u + 2, k)

    issue_idx(0, 0)
    wait_idx(0, 0)
    issue_gather(0)
    issue_idx(1, 1)

    def group(g, _):
        for k in range(NR):
            visit(NR * g + k, k)
        return 0

    lax.fori_loop(0, NU // NR, group, 0, unroll=False)
    wait_write(NU - 1, (NU - 1) % NR)


@functools.lru_cache(maxsize=1)
def _make_emb_gather():
    mesh = plsc.VectorSubcoreMesh(core_axis_name="c", subcore_axis_name="s")
    return pl.kernel(
        _emb_gather_body,
        mesh=mesh,
        out_type=jax.ShapeDtypeStruct((T, B, TE), jnp.float32),
        scratch_types=(
            [pltpu.VMEM((BB,), jnp.int32) for _ in range(NR)]
            + [pltpu.VMEM((BB, TE), jnp.float32) for _ in range(NR)]
            + [pltpu.SemaphoreType.DMA for _ in range(3 * NR)]
        ),
    )


def _head_body(emb_ref, wt_ref, b_ref, out_ref):
    embc = emb_ref[0][:, :N_EMBD]
    res = lax.dot_general(
        wt_ref[...], embc, (((1,), (1,)), ((), ())),
        preferred_element_type=jnp.float32,
    )
    out_ref[0] = res + b_ref[...]


def _head(embs, wt, bcol):
    return pl.pallas_call(
        _head_body,
        grid=(T, B // BB2),
        in_specs=[
            pl.BlockSpec((1, BB2, TE), lambda t, i: (t, i, 0)),
            pl.BlockSpec((VOCAB, N_EMBD), lambda t, i: (0, 0)),
            pl.BlockSpec((VOCAB, 1), lambda t, i: (0, 0)),
        ],
        out_specs=pl.BlockSpec((1, VOCAB, BB2), lambda t, i: (t, 0, i)),
        out_shape=jax.ShapeDtypeStruct((T, VOCAB, B), jnp.float32),
    )(embs, wt, bcol)


def kernel(idx, token_embedding_table, lm_head_w, lm_head_b):
    tabp = jnp.pad(token_embedding_table, ((0, 0), (0, TE - N_EMBD)))
    idxt = idx.T
    embs = _make_emb_gather()(tabp, idxt)
    out_t = _head(embs, lm_head_w.T, lm_head_b.reshape(VOCAB, 1))
    return jnp.transpose(out_t, (2, 0, 1))

# --- scband reference (transcript-rebuilt; emitter-appended) ---
"""Pipeline reference for scband-bigram-language-model-90082644066664 (READ-ONLY COPY).

The authoritative reference and input builder live on the scoring server;
editing this copy changes nothing except your own understanding.
"""

import jax, jax.numpy as jnp
import numpy as np

VOCAB = 1000
N_EMBD = 32
B, T = 1024, 200

def setup_inputs(seed: int = 0) -> dict:
    key = jax.random.key(seed)
    k1, k2, k3, k4 = jax.random.split(key, 4)
    idx = jax.random.randint(k1, (B, T), 0, VOCAB, dtype=jnp.int64 if jax.config.jax_enable_x64 else jnp.int32).astype(jnp.int32)
    # learned params
    token_embedding_table = jax.random.normal(k2, (VOCAB, N_EMBD), dtype=jnp.float32)
    # lm_head: Linear(n_embd, vocab_size)
    bound = 1.0 / np.sqrt(N_EMBD)
    lm_head_w = jax.random.uniform(k3, (N_EMBD, VOCAB), dtype=jnp.float32, minval=-bound, maxval=bound)
    lm_head_b = jax.random.uniform(k4, (VOCAB,), dtype=jnp.float32, minval=-bound, maxval=bound)
    return {"idx": idx, "token_embedding_table": token_embedding_table, "lm_head_w": lm_head_w, "lm_head_b": lm_head_b}

def reference(idx, token_embedding_table, lm_head_w, lm_head_b):
    # tok_emb = self.token_embedding_table(idx)  -- embedding gather
    tok_emb = jnp.take(token_embedding_table, idx, axis=0)  # [B, T, n_embd]
    # logits = self.lm_head(tok_emb)
    logits = jnp.einsum('btc,cv->btv', tok_emb, lm_head_w) + lm_head_b  # [B, T, vocab]
    # target is None -> loss is None; return logits (loss omitted since non-array)
    return logits

if False:  # reference __main__ guard neutralized (emitter)
    out = reference(**setup_inputs())
    print(out.shape, out.dtype)

if __name__ == "__main__":
    import jax
    _d = setup_inputs()
    print(jax.jit(kernel)(*tuple(_d.values())))

</pallas_src>

<mosaic_0001>
#map = affine_map<(d0, d1) -> (0, 0)>
#map1 = affine_map<(d0, d1) -> (0, 0, 0)>
module attributes {stable_mosaic.version = 14 : i64} {
  func.func @_emb_gather_body(%arg0: i32, %arg1: i32, %arg2: memref<1000x128xf32, #tpu.memory_space<hbm>>, %arg3: memref<200x1024xi32, #tpu.memory_space<hbm>>, %arg4: memref<200x1024x128xf32, #tpu.memory_space<hbm>>, %arg5: memref<128xi32, #tpu.memory_space<vmem>>, %arg6: memref<128xi32, #tpu.memory_space<vmem>>, %arg7: memref<128x128xf32, #tpu.memory_space<vmem>>, %arg8: memref<128x128xf32, #tpu.memory_space<vmem>>, %arg9: memref<!tpu.dma_semaphore, #tpu.memory_space<semaphore_mem>>, %arg10: memref<!tpu.dma_semaphore, #tpu.memory_space<semaphore_mem>>, %arg11: memref<!tpu.dma_semaphore, #tpu.memory_space<semaphore_mem>>, %arg12: memref<!tpu.dma_semaphore, #tpu.memory_space<semaphore_mem>>, %arg13: memref<!tpu.dma_semaphore, #tpu.memory_space<semaphore_mem>>, %arg14: memref<!tpu.dma_semaphore, #tpu.memory_space<semaphore_mem>>) attributes {dimension_semantics = [#tpu.dimension_semantics<core_parallel>, #tpu.dimension_semantics<subcore_parallel>], iteration_bounds = array<i64: 2, 16>, scalar_prefetch = 0 : i64, scratch_operands = 10 : i64, tpu.core_type = #tpu.core_type<sc_vector_subcore>, window_params = [{transform_indices = #map}, {transform_indices = #map}, {transform_indices = #map1}]} {
    %mul3A = arith.constant 2 : i32
    %mul3A_0 = arith.muli %arg1, %mul3A : i32
    %add3A = arith.addi %mul3A_0, %arg0 : i32
    %mul3A_1 = arith.constant 50 : i32
    %mul3A_2 = arith.muli %add3A, %mul3A_1 : i32
    %add3A_3 = arith.constant 0 : i32
    %add3A_4 = arith.addi %mul3A_2, %add3A_3 : i32
    %jit3A = arith.constant 8 : i32
    %div3A = arith.divsi %add3A_4, %jit3A : i32
    %sign3A = arith.constant 0 : i32
    %sign3A_5 = arith.cmpi sgt, %add3A_4, %sign3A : i32
    %sign3A_6 = arith.extui %sign3A_5 : i1 to i32
    %sign3A_7 = arith.constant 0 : i32
    %sign3A_8 = arith.cmpi slt, %add3A_4, %sign3A_7 : i32
    %sign3A_9 = arith.extui %sign3A_8 : i1 to i32
    %sign3A_10 = arith.subi %sign3A_6, %sign3A_9 : i32
    %sign3A_11 = arith.constant 0 : i32
    %sign3A_12 = arith.cmpi sgt, %jit3A, %sign3A_11 : i32
    %sign3A_13 = arith.extui %sign3A_12 : i1 to i32
    %sign3A_14 = arith.constant 0 : i32
    %sign3A_15 = arith.cmpi slt, %jit3A, %sign3A_14 : i32
    %sign3A_16 = arith.extui %sign3A_15 : i1 to i32
    %sign3A_17 = arith.subi %sign3A_13, %sign3A_16 : i32
    %ne3A = arith.cmpi ne, %sign3A_10, %sign3A_17 : i32
    %rem3A = arith.remsi %add3A_4, %jit3A : i32
    %ne3A_18 = arith.constant 0 : i32
    %ne3A_19 = arith.cmpi ne, %rem3A, %ne3A_18 : i32
    %and3A = arith.andi %ne3A, %ne3A_19 : i1
    %sub3A = arith.constant 1 : i32
    %sub3A_20 = arith.subi %div3A, %sub3A : i32
    %select_n3A = arith.select %and3A, %sub3A_20, %div3A : i32
    %add3A_21 = arith.constant 0 : i32
    %add3A_22 = arith.addi %mul3A_2, %add3A_21 : i32
    %jit3A_23 = arith.constant 8 : i32
    %eq3A = arith.constant 0 : i32
    %eq3A_24 = arith.cmpi eq, %jit3A_23, %eq3A : i32
    %jit3A_25 = arith.constant 1 : i32
    %select_n3A_26 = arith.select %eq3A_24, %jit3A_25, %jit3A_23 : i32
    %rem3A_27 = arith.remsi %add3A_22, %select_n3A_26 : i32
    %ne3A_28 = arith.constant 0 : i32
    %ne3A_29 = arith.cmpi ne, %rem3A_27, %ne3A_28 : i32
    %lt3A = arith.constant 0 : i32
    %lt3A_30 = arith.cmpi slt, %rem3A_27, %lt3A : i32
    %lt3A_31 = arith.constant 0 : i32
    %lt3A_32 = arith.cmpi slt, %select_n3A_26, %lt3A_31 : i32
    %ne3A_33 = arith.xori %lt3A_30, %lt3A_32 : i1
    %and3A_34 = arith.andi %ne3A_33, %ne3A_29 : i1
    %add3A_35 = arith.addi %rem3A_27, %select_n3A_26 : i32
    %select_n3A_36 = arith.select %and3A_34, %add3A_35, %rem3A_27 : i32
    %mul3A_37 = arith.constant 128 : i32
    %mul3A_38 = arith.muli %select_n3A_36, %mul3A_37 : i32
    %dma_start3A = tpu.memref_slice %arg3[%select_n3A, %mul3A_38] : memref<200x1024xi32, #tpu.memory_space<hbm>> -> memref<1x128xi32, #tpu.memory_space<hbm>>
    %dma_start3A_39 = tpu.memref_squeeze %dma_start3A : memref<1x128xi32, #tpu.memory_space<hbm>> -> memref<128xi32, #tpu.memory_space<hbm>>
    %dma_start3A_40 = tpu.memref_slice %arg3[%select_n3A, %mul3A_38] : memref<200x1024xi32, #tpu.memory_space<hbm>> -> memref<1x128xi32, #tpu.memory_space<hbm>>
    %dma_start3A_41 = tpu.memref_squeeze %dma_start3A_40 : memref<1x128xi32, #tpu.memory_space<hbm>> -> memref<128xi32, #tpu.memory_space<hbm>>
    tpu.enqueue_dma source(%dma_start3A_41 : memref<128xi32, #tpu.memory_space<hbm>>) target(%arg5 : memref<128xi32, #tpu.memory_space<vmem>>) target_semaphore(%arg9 : memref<!tpu.dma_semaphore, #tpu.memory_space<semaphore_mem>>)
    %add3A_42 = arith.constant 0 : i32
    %add3A_43 = arith.addi %mul3A_2, %add3A_42 : i32
    %jit3A_44 = arith.constant 8 : i32
    %div3A_45 = arith.divsi %add3A_43, %jit3A_44 : i32
    %sign3A_46 = arith.constant 0 : i32
    %sign3A_47 = arith.cmpi sgt, %add3A_43, %sign3A_46 : i32
    %sign3A_48 = arith.extui %sign3A_47 : i1 to i32
    %sign3A_49 = arith.constant 0 : i32
    %sign3A_50 = arith.cmpi slt, %add3A_43, %sign3A_49 : i32
    %sign3A_51 = arith.extui %sign3A_50 : i1 to i32
    %sign3A_52 = arith.subi %sign3A_48, %sign3A_51 : i32
    %sign3A_53 = arith.constant 0 : i32
    %sign3A_54 = arith.cmpi sgt, %jit3A_44, %sign3A_53 : i32
    %sign3A_55 = arith.extui %sign3A_54 : i1 to i32
    %sign3A_56 = arith.constant 0 : i32
    %sign3A_57 = arith.cmpi slt, %jit3A_44, %sign3A_56 : i32
    %sign3A_58 = arith.extui %sign3A_57 : i1 to i32
    %sign3A_59 = arith.subi %sign3A_55, %sign3A_58 : i32
    %ne3A_60 = arith.cmpi ne, %sign3A_52, %sign3A_59 : i32
    %rem3A_61 = arith.remsi %add3A_43, %jit3A_44 : i32
    %ne3A_62 = arith.constant 0 : i32
    %ne3A_63 = arith.cmpi ne, %rem3A_61, %ne3A_62 : i32
    %and3A_64 = arith.andi %ne3A_60, %ne3A_63 : i1
    %sub3A_65 = arith.constant 1 : i32
    %sub3A_66 = arith.subi %div3A_45, %sub3A_65 : i32
    %select_n3A_67 = arith.select %and3A_64, %sub3A_66, %div3A_45 : i32
    %add3A_68 = arith.constant 0 : i32
    %add3A_69 = arith.addi %mul3A_2, %add3A_68 : i32
    %jit3A_70 = arith.constant 8 : i32
    %eq3A_71 = arith.constant 0 : i32
    %eq3A_72 = arith.cmpi eq, %jit3A_70, %eq3A_71 : i32
    %jit3A_73 = arith.constant 1 : i32
    %select_n3A_74 = arith.select %eq3A_72, %jit3A_73, %jit3A_70 : i32
    %rem3A_75 = arith.remsi %add3A_69, %select_n3A_74 : i32
    %ne3A_76 = arith.constant 0 : i32
    %ne3A_77 = arith.cmpi ne, %rem3A_75, %ne3A_76 : i32
    %lt3A_78 = arith.constant 0 : i32
    %lt3A_79 = arith.cmpi slt, %rem3A_75, %lt3A_78 : i32
    %lt3A_80 = arith.constant 0 : i32
    %lt3A_81 = arith.cmpi slt, %select_n3A_74, %lt3A_80 : i32
    %ne3A_82 = arith.xori %lt3A_79, %lt3A_81 : i1
    %and3A_83 = arith.andi %ne3A_82, %ne3A_77 : i1
    %add3A_84 = arith.addi %rem3A_75, %select_n3A_74 : i32
    %select_n3A_85 = arith.select %and3A_83, %add3A_84, %rem3A_75 : i32
    %mul3A_86 = arith.constant 128 : i32
    %mul3A_87 = arith.muli %select_n3A_85, %mul3A_86 : i32
    %dma_wait3A = tpu.memref_slice %arg3[%select_n3A_67, %mul3A_87] : memref<200x1024xi32, #tpu.memory_space<hbm>> -> memref<1x128xi32, #tpu.memory_space<hbm>>
    %dma_wait3A_88 = tpu.memref_squeeze %dma_wait3A : memref<1x128xi32, #tpu.memory_space<hbm>> -> memref<128xi32, #tpu.memory_space<hbm>>
    %dma_wait3A_89 = tpu.memref_slice %arg3[%select_n3A_67, %mul3A_87] : memref<200x1024xi32, #tpu.memory_space<hbm>> -> memref<1x128xi32, #tpu.memory_space<hbm>>
    %dma_wait3A_90 = tpu.memref_squeeze %dma_wait3A_89 : memref<1x128xi32, #tpu.memory_space<hbm>> -> memref<128xi32, #tpu.memory_space<hbm>>
    tpu.wait_dma2 semaphore(%arg9 : memref<!tpu.dma_semaphore, #tpu.memory_space<semaphore_mem>>) src(%dma_wait3A_90 : memref<128xi32, #tpu.memory_space<hbm>>) dst(%arg5 : memref<128xi32, #tpu.memory_space<vmem>>)
    %dma_start3A_91 = arith.constant 0 : i32
    %dma_start3A_92 = arith.constant 0 : i32
    %dma_start3A_93 = tpu.memref_slice %arg2[%dma_start3A_91, %dma_start3A_92] : memref<1000x128xf32, #tpu.memory_space<hbm>> -> memref<1000x128xf32, #tpu.memory_space<hbm>>
    tpu.enqueue_indirect_dma source(%dma_start3A_93 : memref<1000x128xf32, #tpu.memory_space<hbm>>) target(%arg7 : memref<128x128xf32, #tpu.memory_space<vmem>>) offsets(%arg5 : memref<128xi32, #tpu.memory_space<vmem>>) semaphore(%arg11 : memref<!tpu.dma_semaphore, #tpu.memory_space<semaphore_mem>>)
    %add3A_94 = arith.constant 1 : i32
    %add3A_95 = arith.addi %mul3A_2, %add3A_94 : i32
    %jit3A_96 = arith.constant 8 : i32
    %div3A_97 = arith.divsi %add3A_95, %jit3A_96 : i32
    %sign3A_98 = arith.constant 0 : i32
    %sign3A_99 = arith.cmpi sgt, %add3A_95, %sign3A_98 : i32
    %sign3A_100 = arith.extui %sign3A_99 : i1 to i32
    %sign3A_101 = arith.constant 0 : i32
    %sign3A_102 = arith.cmpi slt, %add3A_95, %sign3A_101 : i32
    %sign3A_103 = arith.extui %sign3A_102 : i1 to i32
    %sign3A_104 = arith.subi %sign3A_100, %sign3A_103 : i32
    %sign3A_105 = arith.constant 0 : i32
    %sign3A_106 = arith.cmpi sgt, %jit3A_96, %sign3A_105 : i32
    %sign3A_107 = arith.extui %sign3A_106 : i1 to i32
    %sign3A_108 = arith.constant 0 : i32
    %sign3A_109 = arith.cmpi slt, %jit3A_96, %sign3A_108 : i32
    %sign3A_110 = arith.extui %sign3A_109 : i1 to i32
    %sign3A_111 = arith.subi %sign3A_107, %sign3A_110 : i32
    %ne3A_112 = arith.cmpi ne, %sign3A_104, %sign3A_111 : i32
    %rem3A_113 = arith.remsi %add3A_95, %jit3A_96 : i32
    %ne3A_114 = arith.constant 0 : i32
    %ne3A_115 = arith.cmpi ne, %rem3A_113, %ne3A_114 : i32
    %and3A_116 = arith.andi %ne3A_112, %ne3A_115 : i1
    %sub3A_117 = arith.constant 1 : i32
    %sub3A_118 = arith.subi %div3A_97, %sub3A_117 : i32
    %select_n3A_119 = arith.select %and3A_116, %sub3A_118, %div3A_97 : i32
    %add3A_120 = arith.constant 1 : i32
    %add3A_121 = arith.addi %mul3A_2, %add3A_120 : i32
    %jit3A_122 = arith.constant 8 : i32
    %eq3A_123 = arith.constant 0 : i32
    %eq3A_124 = arith.cmpi eq, %jit3A_122, %eq3A_123 : i32
    %jit3A_125 = arith.constant 1 : i32
    %select_n3A_126 = arith.select %eq3A_124, %jit3A_125, %jit3A_122 : i32
    %rem3A_127 = arith.remsi %add3A_121, %select_n3A_126 : i32
    %ne3A_128 = arith.constant 0 : i32
    %ne3A_129 = arith.cmpi ne, %rem3A_127, %ne3A_128 : i32
    %lt3A_130 = arith.constant 0 : i32
    %lt3A_131 = arith.cmpi slt, %rem3A_127, %lt3A_130 : i32
    %lt3A_132 = arith.constant 0 : i32
    %lt3A_133 = arith.cmpi slt, %select_n3A_126, %lt3A_132 : i32
    %ne3A_134 = arith.xori %lt3A_131, %lt3A_133 : i1
    %and3A_135 = arith.andi %ne3A_134, %ne3A_129 : i1
    %add3A_136 = arith.addi %rem3A_127, %select_n3A_126 : i32
    %select_n3A_137 = arith.select %and3A_135, %add3A_136, %rem3A_127 : i32
    %mul3A_138 = arith.constant 128 : i32
    %mul3A_139 = arith.muli %select_n3A_137, %mul3A_138 : i32
    %dma_start3A_140 = tpu.memref_slice %arg3[%select_n3A_119, %mul3A_139] : memref<200x1024xi32, #tpu.memory_space<hbm>> -> memref<1x128xi32, #tpu.memory_space<hbm>>
    %dma_start3A_141 = tpu.memref_squeeze %dma_start3A_140 : memref<1x128xi32, #tpu.memory_space<hbm>> -> memref<128xi32, #tpu.memory_space<hbm>>
    %dma_start3A_142 = tpu.memref_slice %arg3[%select_n3A_119, %mul3A_139] : memref<200x1024xi32, #tpu.memory_space<hbm>> -> memref<1x128xi32, #tpu.memory_space<hbm>>
    %dma_start3A_143 = tpu.memref_squeeze %dma_start3A_142 : memref<1x128xi32, #tpu.memory_space<hbm>> -> memref<128xi32, #tpu.memory_space<hbm>>
    tpu.enqueue_dma source(%dma_start3A_143 : memref<128xi32, #tpu.memory_space<hbm>>) target(%arg6 : memref<128xi32, #tpu.memory_space<vmem>>) target_semaphore(%arg10 : memref<!tpu.dma_semaphore, #tpu.memory_space<semaphore_mem>>)
    %scan3A = arith.constant 0 : i32
    %scan3A_144 = arith.constant 0 : i32
    %scan3A_145 = arith.constant 25 : i32
    %scan3A_146 = arith.addi %scan3A_144, %scan3A_145 : i32
    %scan3A_147 = arith.constant 1 : i32
    %scan3A_148 = scf.for %scan3A_202 = %scan3A_144 to %scan3A_146 step %scan3A_147 iter_args(%scan3A_203 = %scan3A) -> (i32)  : i32 {
      %mul3A_204 = arith.constant 2 : i32
      %mul3A_205 = arith.muli %mul3A_204, %scan3A_202 : i32
      %add3A_206 = arith.constant 0 : i32
      %add3A_207 = arith.addi %mul3A_205, %add3A_206 : i32
      %ge3A = arith.constant 1 : i32
      %ge3A_208 = arith.cmpi sge, %add3A_207, %ge3A : i32
      %convert_element_type3A = arith.extui %ge3A_208 : i1 to i32
      %cond3A = arith.constant 0 : i32
      %cond3A_209 = arith.cmpi ne, %convert_element_type3A, %cond3A : i32
      scf.if %cond3A_209 {
        %sub3A_354 = arith.constant 1 : i32
        %sub3A_355 = arith.subi %add3A_207, %sub3A_354 : i32
        %add3A_356 = arith.addi %mul3A_2, %sub3A_355 : i32
        %jit3A_357 = arith.constant 8 : i32
        %div3A_358 = arith.divsi %add3A_356, %jit3A_357 : i32
        %sign3A_359 = arith.constant 0 : i32
        %sign3A_360 = arith.cmpi sgt, %add3A_356, %sign3A_359 : i32
        %sign3A_361 = arith.extui %sign3A_360 : i1 to i32
        %sign3A_362 = arith.constant 0 : i32
        %sign3A_363 = arith.cmpi slt, %add3A_356, %sign3A_362 : i32
        %sign3A_364 = arith.extui %sign3A_363 : i1 to i32
        %sign3A_365 = arith.subi %sign3A_361, %sign3A_364 : i32
        %sign3A_366 = arith.constant 0 : i32
        %sign3A_367 = arith.cmpi sgt, %jit3A_357, %sign3A_366 : i32
        %sign3A_368 = arith.extui %sign3A_367 : i1 to i32
        %sign3A_369 = arith.constant 0 : i32
        %sign3A_370 = arith.cmpi slt, %jit3A_357, %sign3A_369 : i32
        %sign3A_371 = arith.extui %sign3A_370 : i1 to i32
        %sign3A_372 = arith.subi %sign3A_368, %sign3A_371 : i32
        %ne3A_373 = arith.cmpi ne, %sign3A_365, %sign3A_372 : i32
        %rem3A_374 = arith.remsi %add3A_356, %jit3A_357 : i32
        %ne3A_375 = arith.constant 0 : i32
        %ne3A_376 = arith.cmpi ne, %rem3A_374, %ne3A_375 : i32
        %and3A_377 = arith.andi %ne3A_373, %ne3A_376 : i1
        %sub3A_378 = arith.constant 1 : i32
        %sub3A_379 = arith.subi %div3A_358, %sub3A_378 : i32
        %select_n3A_380 = arith.select %and3A_377, %sub3A_379, %div3A_358 : i32
        %add3A_381 = arith.addi %mul3A_2, %sub3A_355 : i32
        %jit3A_382 = arith.constant 8 : i32
        %eq3A_383 = arith.constant 0 : i32
        %eq3A_384 = arith.cmpi eq, %jit3A_382, %eq3A_383 : i32
        %jit3A_385 = arith.constant 1 : i32
        %select_n3A_386 = arith.select %eq3A_384, %jit3A_385, %jit3A_382 : i32
        %rem3A_387 = arith.remsi %add3A_381, %select_n3A_386 : i32
        %ne3A_388 = arith.constant 0 : i32
        %ne3A_389 = arith.cmpi ne, %rem3A_387, %ne3A_388 : i32
        %lt3A_390 = arith.constant 0 : i32
        %lt3A_391 = arith.cmpi slt, %rem3A_387, %lt3A_390 : i32
        %lt3A_392 = arith.constant 0 : i32
        %lt3A_393 = arith.cmpi slt, %select_n3A_386, %lt3A_392 : i32
        %ne3A_394 = arith.xori %lt3A_391, %lt3A_393 : i1
        %and3A_395 = arith.andi %ne3A_394, %ne3A_389 : i1
        %add3A_396 = arith.addi %rem3A_387, %select_n3A_386 : i32
        %select_n3A_397 = arith.select %and3A_395, %add3A_396, %rem3A_387 : i32
        %mul3A_398 = arith.constant 128 : i32
        %mul3A_399 = arith.muli %select_n3A_397, %mul3A_398 : i32
        %dma_wait3A_400 = arith.constant 0 : i32
        %dma_wait3A_401 = tpu.memref_slice %arg4[%select_n3A_380, %mul3A_399, %dma_wait3A_400] : memref<200x1024x128xf32, #tpu.memory_space<hbm>> -> memref<1x128x128xf32, #tpu.memory_space<hbm>>
        %dma_wait3A_402 = tpu.memref_squeeze %dma_wait3A_401 : memref<1x128x128xf32, #tpu.memory_space<hbm>> -> memref<128x128xf32, #tpu.memory_space<hbm>>
        %dma_wait3A_403 = arith.constant 0 : i32
        %dma_wait3A_404 = tpu.memref_slice %arg4[%select_n3A_380, %mul3A_399, %dma_wait3A_403] : memref<200x1024x128xf32, #tpu.memory_space<hbm>> -> memref<1x128x128xf32, #tpu.memory_space<hbm>>
        %dma_wait3A_405 = tpu.memref_squeeze %dma_wait3A_404 : memref<1x128x128xf32, #tpu.memory_space<hbm>> -> memref<128x128xf32, #tpu.memory_space<hbm>>
        tpu.wait_dma2 semaphore(%arg14 : memref<!tpu.dma_semaphore, #tpu.memory_space<semaphore_mem>>) src(%arg8 : memref<128x128xf32, #tpu.memory_space<vmem>>) dst(%dma_wait3A_405 : memref<128x128xf32, #tpu.memory_space<hbm>>)
      } else {
      }
      %add3A_210 = arith.constant 1 : i32
      %add3A_211 = arith.addi %add3A_207, %add3A_210 : i32
      %lt3A_212 = arith.constant 50 : i32
      %lt3A_213 = arith.cmpi slt, %add3A_211, %lt3A_212 : i32
      %convert_element_type3A_214 = arith.extui %lt3A_213 : i1 to i32
      %cond3A_215 = arith.constant 0 : i32
      %cond3A_216 = arith.cmpi ne, %convert_element_type3A_214, %cond3A_215 : i32
      scf.if %cond3A_216 {
        %add3A_354 = arith.constant 1 : i32
        %add3A_355 = arith.addi %add3A_207, %add3A_354 : i32
        %add3A_356 = arith.addi %mul3A_2, %add3A_355 : i32
        %jit3A_357 = arith.constant 8 : i32
        %div3A_358 = arith.divsi %add3A_356, %jit3A_357 : i32
        %sign3A_359 = arith.constant 0 : i32
        %sign3A_360 = arith.cmpi sgt, %add3A_356, %sign3A_359 : i32
        %sign3A_361 = arith.extui %sign3A_360 : i1 to i32
        %sign3A_362 = arith.constant 0 : i32
        %sign3A_363 = arith.cmpi slt, %add3A_356, %sign3A_362 : i32
        %sign3A_364 = arith.extui %sign3A_363 : i1 to i32
        %sign3A_365 = arith.subi %sign3A_361, %sign3A_364 : i32
        %sign3A_366 = arith.constant 0 : i32
        %sign3A_367 = arith.cmpi sgt, %jit3A_357, %sign3A_366 : i32
        %sign3A_368 = arith.extui %sign3A_367 : i1 to i32
        %sign3A_369 = arith.constant 0 : i32
        %sign3A_370 = arith.cmpi slt, %jit3A_357, %sign3A_369 : i32
        %sign3A_371 = arith.extui %sign3A_370 : i1 to i32
        %sign3A_372 = arith.subi %sign3A_368, %sign3A_371 : i32
        %ne3A_373 = arith.cmpi ne, %sign3A_365, %sign3A_372 : i32
        %rem3A_374 = arith.remsi %add3A_356, %jit3A_357 : i32
        %ne3A_375 = arith.constant 0 : i32
        %ne3A_376 = arith.cmpi ne, %rem3A_374, %ne3A_375 : i32
        %and3A_377 = arith.andi %ne3A_373, %ne3A_376 : i1
        %sub3A_378 = arith.constant 1 : i32
        %sub3A_379 = arith.subi %div3A_358, %sub3A_378 : i32
        %select_n3A_380 = arith.select %and3A_377, %sub3A_379, %div3A_358 : i32
        %add3A_381 = arith.addi %mul3A_2, %add3A_355 : i32
        %jit3A_382 = arith.constant 8 : i32
        %eq3A_383 = arith.constant 0 : i32
        %eq3A_384 = arith.cmpi eq, %jit3A_382, %eq3A_383 : i32
        %jit3A_385 = arith.constant 1 : i32
        %select_n3A_386 = arith.select %eq3A_384, %jit3A_385, %jit3A_382 : i32
        %rem3A_387 = arith.remsi %add3A_381, %select_n3A_386 : i32
        %ne3A_388 = arith.constant 0 : i32
        %ne3A_389 = arith.cmpi ne, %rem3A_387, %ne3A_388 : i32
        %lt3A_390 = arith.constant 0 : i32
        %lt3A_391 = arith.cmpi slt, %rem3A_387, %lt3A_390 : i32
        %lt3A_392 = arith.constant 0 : i32
        %lt3A_393 = arith.cmpi slt, %select_n3A_386, %lt3A_392 : i32
        %ne3A_394 = arith.xori %lt3A_391, %lt3A_393 : i1
        %and3A_395 = arith.andi %ne3A_394, %ne3A_389 : i1
        %add3A_396 = arith.addi %rem3A_387, %select_n3A_386 : i32
        %select_n3A_397 = arith.select %and3A_395, %add3A_396, %rem3A_387 : i32
        %mul3A_398 = arith.constant 128 : i32
        %mul3A_399 = arith.muli %select_n3A_397, %mul3A_398 : i32
        %dma_wait3A_400 = tpu.memref_slice %arg3[%select_n3A_380, %mul3A_399] : memref<200x1024xi32, #tpu.memory_space<hbm>> -> memref<1x128xi32, #tpu.memory_space<hbm>>
        %dma_wait3A_401 = tpu.memref_squeeze %dma_wait3A_400 : memref<1x128xi32, #tpu.memory_space<hbm>> -> memref<128xi32, #tpu.memory_space<hbm>>
        %dma_wait3A_402 = tpu.memref_slice %arg3[%select_n3A_380, %mul3A_399] : memref<200x1024xi32, #tpu.memory_space<hbm>> -> memref<1x128xi32, #tpu.memory_space<hbm>>
        %dma_wait3A_403 = tpu.memref_squeeze %dma_wait3A_402 : memref<1x128xi32, #tpu.memory_space<hbm>> -> memref<128xi32, #tpu.memory_space<hbm>>
        tpu.wait_dma2 semaphore(%arg10 : memref<!tpu.dma_semaphore, #tpu.memory_space<semaphore_mem>>) src(%dma_wait3A_403 : memref<128xi32, #tpu.memory_space<hbm>>) dst(%arg6 : memref<128xi32, #tpu.memory_space<vmem>>)
        %dma_start3A_404 = arith.constant 0 : i32
        %dma_start3A_405 = arith.constant 0 : i32
        %dma_start3A_406 = tpu.memref_slice %arg2[%dma_start3A_404, %dma_start3A_405] : memref<1000x128xf32, #tpu.memory_space<hbm>> -> memref<1000x128xf32, #tpu.memory_space<hbm>>
        tpu.enqueue_indirect_dma source(%dma_start3A_406 : memref<1000x128xf32, #tpu.memory_space<hbm>>) target(%arg8 : memref<128x128xf32, #tpu.memory_space<vmem>>) offsets(%arg6 : memref<128xi32, #tpu.memory_space<vmem>>) semaphore(%arg12 : memref<!tpu.dma_semaphore, #tpu.memory_space<semaphore_mem>>)
      } else {
      }
      %dma_wait3A_217 = arith.constant 0 : i32
      %dma_wait3A_218 = arith.constant 0 : i32
      %dma_wait3A_219 = tpu.memref_slice %arg2[%dma_wait3A_217, %dma_wait3A_218] : memref<1000x128xf32, #tpu.memory_space<hbm>> -> memref<1000x128xf32, #tpu.memory_space<hbm>>
      tpu.wait_indirect_dma semaphore(%arg11 : memref<!tpu.dma_semaphore, #tpu.memory_space<semaphore_mem>>) src(%dma_wait3A_219 : memref<1000x128xf32, #tpu.memory_space<hbm>>) dst(%arg7 : memref<128x128xf32, #tpu.memory_space<vmem>>)
      %add3A_220 = arith.addi %mul3A_2, %add3A_207 : i32
      %jit3A_221 = arith.constant 8 : i32
      %div3A_222 = arith.divsi %add3A_220, %jit3A_221 : i32
      %sign3A_223 = arith.constant 0 : i32
      %sign3A_224 = arith.cmpi sgt, %add3A_220, %sign3A_223 : i32
      %sign3A_225 = arith.extui %sign3A_224 : i1 to i32
      %sign3A_226 = arith.constant 0 : i32
      %sign3A_227 = arith.cmpi slt, %add3A_220, %sign3A_226 : i32
      %sign3A_228 = arith.extui %sign3A_227 : i1 to i32
      %sign3A_229 = arith.subi %sign3A_225, %sign3A_228 : i32
      %sign3A_230 = arith.constant 0 : i32
      %sign3A_231 = arith.cmpi sgt, %jit3A_221, %sign3A_230 : i32
      %sign3A_232 = arith.extui %sign3A_231 : i1 to i32
      %sign3A_233 = arith.constant 0 : i32
      %sign3A_234 = arith.cmpi slt, %jit3A_221, %sign3A_233 : i32
      %sign3A_235 = arith.extui %sign3A_234 : i1 to i32
      %sign3A_236 = arith.subi %sign3A_232, %sign3A_235 : i32
      %ne3A_237 = arith.cmpi ne, %sign3A_229, %sign3A_236 : i32
      %rem3A_238 = arith.remsi %add3A_220, %jit3A_221 : i32
      %ne3A_239 = arith.constant 0 : i32
      %ne3A_240 = arith.cmpi ne, %rem3A_238, %ne3A_239 : i32
      %and3A_241 = arith.andi %ne3A_237, %ne3A_240 : i1
      %sub3A_242 = arith.constant 1 : i32
      %sub3A_243 = arith.subi %div3A_222, %sub3A_242 : i32
      %select_n3A_244 = arith.select %and3A_241, %sub3A_243, %div3A_222 : i32
      %add3A_245 = arith.addi %mul3A_2, %add3A_207 : i32
      %jit3A_246 = arith.constant 8 : i32
      %eq3A_247 = arith.constant 0 : i32
      %eq3A_248 = arith.cmpi eq, %jit3A_246, %eq3A_247 : i32
      %jit3A_249 = arith.constant 1 : i32
      %select_n3A_250 = arith.select %eq3A_248, %jit3A_249, %jit3A_246 : i32
      %rem3A_251 = arith.remsi %add3A_245, %select_n3A_250 : i32
      %ne3A_252 = arith.constant 0 : i32
      %ne3A_253 = arith.cmpi ne, %rem3A_251, %ne3A_252 : i32
      %lt3A_254 = arith.constant 0 : i32
      %lt3A_255 = arith.cmpi slt, %rem3A_251, %lt3A_254 : i32
      %lt3A_256 = arith.constant 0 : i32
      %lt3A_257 = arith.cmpi slt, %select_n3A_250, %lt3A_256 : i32
      %ne3A_258 = arith.xori %lt3A_255, %lt3A_257 : i1
      %and3A_259 = arith.andi %ne3A_258, %ne3A_253 : i1
      %add3A_260 = arith.addi %rem3A_251, %select_n3A_250 : i32
      %select_n3A_261 = arith.select %and3A_259, %add3A_260, %rem3A_251 : i32
      %mul3A_262 = arith.constant 128 : i32
      %mul3A_263 = arith.muli %select_n3A_261, %mul3A_262 : i32
      %dma_start3A_264 = arith.constant 0 : i32
      %dma_start3A_265 = tpu.memref_slice %arg4[%select_n3A_244, %mul3A_263, %dma_start3A_264] : memref<200x1024x128xf32, #tpu.memory_space<hbm>> -> memref<1x128x128xf32, #tpu.memory_space<hbm>>
      %dma_start3A_266 = tpu.memref_squeeze %dma_start3A_265 : memref<1x128x128xf32, #tpu.memory_space<hbm>> -> memref<128x128xf32, #tpu.memory_space<hbm>>
      %dma_start3A_267 = arith.constant 0 : i32
      %dma_start3A_268 = tpu.memref_slice %arg4[%select_n3A_244, %mul3A_263, %dma_start3A_267] : memref<200x1024x128xf32, #tpu.memory_space<hbm>> -> memref<1x128x128xf32, #tpu.memory_space<hbm>>
      %dma_start3A_269 = tpu.memref_squeeze %dma_start3A_268 : memref<1x128x128xf32, #tpu.memory_space<hbm>> -> memref<128x128xf32, #tpu.memory_space<hbm>>
      tpu.enqueue_dma source(%arg7 : memref<128x128xf32, #tpu.memory_space<vmem>>) target(%dma_start3A_269 : memref<128x128xf32, #tpu.memory_space<hbm>>) target_semaphore(%arg13 : memref<!tpu.dma_semaphore, #tpu.memory_space<semaphore_mem>>)
      %add3A_270 = arith.constant 2 : i32
      %add3A_271 = arith.addi %add3A_207, %add3A_270 : i32
      %lt3A_272 = arith.constant 50 : i32
      %lt3A_273 = arith.cmpi slt, %add3A_271, %lt3A_272 : i32
      %convert_element_type3A_274 = arith.extui %lt3A_273 : i1 to i32
      %cond3A_275 = arith.constant 0 : i32
      %cond3A_276 = arith.cmpi ne, %convert_element_type3A_274, %cond3A_275 : i32
      scf.if %cond3A_276 {
        %add3A_354 = arith.constant 2 : i32
        %add3A_355 = arith.addi %add3A_207, %add3A_354 : i32
        %add3A_356 = arith.addi %mul3A_2, %add3A_355 : i32
        %jit3A_357 = arith.constant 8 : i32
        %div3A_358 = arith.divsi %add3A_356, %jit3A_357 : i32
        %sign3A_359 = arith.constant 0 : i32
        %sign3A_360 = arith.cmpi sgt, %add3A_356, %sign3A_359 : i32
        %sign3A_361 = arith.extui %sign3A_360 : i1 to i32
        %sign3A_362 = arith.constant 0 : i32
        %sign3A_363 = arith.cmpi slt, %add3A_356, %sign3A_362 : i32
        %sign3A_364 = arith.extui %sign3A_363 : i1 to i32
        %sign3A_365 = arith.subi %sign3A_361, %sign3A_364 : i32
        %sign3A_366 = arith.constant 0 : i32
        %sign3A_367 = arith.cmpi sgt, %jit3A_357, %sign3A_366 : i32
        %sign3A_368 = arith.extui %sign3A_367 : i1 to i32
        %sign3A_369 = arith.constant 0 : i32
        %sign3A_370 = arith.cmpi slt, %jit3A_357, %sign3A_369 : i32
        %sign3A_371 = arith.extui %sign3A_370 : i1 to i32
        %sign3A_372 = arith.subi %sign3A_368, %sign3A_371 : i32
        %ne3A_373 = arith.cmpi ne, %sign3A_365, %sign3A_372 : i32
        %rem3A_374 = arith.remsi %add3A_356, %jit3A_357 : i32
        %ne3A_375 = arith.constant 0 : i32
        %ne3A_376 = arith.cmpi ne, %rem3A_374, %ne3A_375 : i32
        %and3A_377 = arith.andi %ne3A_373, %ne3A_376 : i1
        %sub3A_378 = arith.constant 1 : i32
        %sub3A_379 = arith.subi %div3A_358, %sub3A_378 : i32
        %select_n3A_380 = arith.select %and3A_377, %sub3A_379, %div3A_358 : i32
        %add3A_381 = arith.addi %mul3A_2, %add3A_355 : i32
        %jit3A_382 = arith.constant 8 : i32
        %eq3A_383 = arith.constant 0 : i32
        %eq3A_384 = arith.cmpi eq, %jit3A_382, %eq3A_383 : i32
        %jit3A_385 = arith.constant 1 : i32
        %select_n3A_386 = arith.select %eq3A_384, %jit3A_385, %jit3A_382 : i32
        %rem3A_387 = arith.remsi %add3A_381, %select_n3A_386 : i32
        %ne3A_388 = arith.constant 0 : i32
        %ne3A_389 = arith.cmpi ne, %rem3A_387, %ne3A_388 : i32
        %lt3A_390 = arith.constant 0 : i32
        %lt3A_391 = arith.cmpi slt, %rem3A_387, %lt3A_390 : i32
        %lt3A_392 = arith.constant 0 : i32
        %lt3A_393 = arith.cmpi slt, %select_n3A_386, %lt3A_392 : i32
        %ne3A_394 = arith.xori %lt3A_391, %lt3A_393 : i1
        %and3A_395 = arith.andi %ne3A_394, %ne3A_389 : i1
        %add3A_396 = arith.addi %rem3A_387, %select_n3A_386 : i32
        %select_n3A_397 = arith.select %and3A_395, %add3A_396, %rem3A_387 : i32
        %mul3A_398 = arith.constant 128 : i32
        %mul3A_399 = arith.muli %select_n3A_397, %mul3A_398 : i32
        %dma_start3A_400 = tpu.memref_slice %arg3[%select_n3A_380, %mul3A_399] : memref<200x1024xi32, #tpu.memory_space<hbm>> -> memref<1x128xi32, #tpu.memory_space<hbm>>
        %dma_start3A_401 = tpu.memref_squeeze %dma_start3A_400 : memref<1x128xi32, #tpu.memory_space<hbm>> -> memref<128xi32, #tpu.memory_space<hbm>>
        %dma_start3A_402 = tpu.memref_slice %arg3[%select_n3A_380, %mul3A_399] : memref<200x1024xi32, #tpu.memory_space<hbm>> -> memref<1x128xi32, #tpu.memory_space<hbm>>
        %dma_start3A_403 = tpu.memref_squeeze %dma_start3A_402 : memref<1x128xi32, #tpu.memory_space<hbm>> -> memref<128xi32, #tpu.memory_space<hbm>>
        tpu.enqueue_dma source(%dma_start3A_403 : memref<128xi32, #tpu.memory_space<hbm>>) target(%arg5 : memref<128xi32, #tpu.memory_space<vmem>>) target_semaphore(%arg9 : memref<!tpu.dma_semaphore, #tpu.memory_space<semaphore_mem>>)
      } else {
      }
      %mul3A_277 = arith.constant 2 : i32
      %mul3A_278 = arith.muli %mul3A_277, %scan3A_202 : i32
      %add3A_279 = arith.constant 1 : i32
      %add3A_280 = arith.addi %mul3A_278, %add3A_279 : i32
      %ge3A_281 = arith.constant 1 : i32
      %ge3A_282 = arith.cmpi sge, %add3A_280, %ge3A_281 : i32
      %convert_element_type3A_283 = arith.extui %ge3A_282 : i1 to i32
      %cond3A_284 = arith.constant 0 : i32
      %cond3A_285 = arith.cmpi ne, %convert_element_type3A_283, %cond3A_284 : i32
      scf.if %cond3A_285 {
        %sub3A_354 = arith.constant 1 : i32
        %sub3A_355 = arith.subi %add3A_280, %sub3A_354 : i32
        %add3A_356 = arith.addi %mul3A_2, %sub3A_355 : i32
        %jit3A_357 = arith.constant 8 : i32
        %div3A_358 = arith.divsi %add3A_356, %jit3A_357 : i32
        %sign3A_359 = arith.constant 0 : i32
        %sign3A_360 = arith.cmpi sgt, %add3A_356, %sign3A_359 : i32
        %sign3A_361 = arith.extui %sign3A_360 : i1 to i32
        %sign3A_362 = arith.constant 0 : i32
        %sign3A_363 = arith.cmpi slt, %add3A_356, %sign3A_362 : i32
        %sign3A_364 = arith.extui %sign3A_363 : i1 to i32
        %sign3A_365 = arith.subi %sign3A_361, %sign3A_364 : i32
        %sign3A_366 = arith.constant 0 : i32
        %sign3A_367 = arith.cmpi sgt, %jit3A_357, %sign3A_366 : i32
        %sign3A_368 = arith.extui %sign3A_367 : i1 to i32
        %sign3A_369 = arith.constant 0 : i32
        %sign3A_370 = arith.cmpi slt, %jit3A_357, %sign3A_369 : i32
        %sign3A_371 = arith.extui %sign3A_370 : i1 to i32
        %sign3A_372 = arith.subi %sign3A_368, %sign3A_371 : i32
        %ne3A_373 = arith.cmpi ne, %sign3A_365, %sign3A_372 : i32
        %rem3A_374 = arith.remsi %add3A_356, %jit3A_357 : i32
        %ne3A_375 = arith.constant 0 : i32
        %ne3A_376 = arith.cmpi ne, %rem3A_374, %ne3A_375 : i32
        %and3A_377 = arith.andi %ne3A_373, %ne3A_376 : i1
        %sub3A_378 = arith.constant 1 : i32
        %sub3A_379 = arith.subi %div3A_358, %sub3A_378 : i32
        %select_n3A_380 = arith.select %and3A_377, %sub3A_379, %div3A_358 : i32
        %add3A_381 = arith.addi %mul3A_2, %sub3A_355 : i32
        %jit3A_382 = arith.constant 8 : i32
        %eq3A_383 = arith.constant 0 : i32
        %eq3A_384 = arith.cmpi eq, %jit3A_382, %eq3A_383 : i32
        %jit3A_385 = arith.constant 1 : i32
        %select_n3A_386 = arith.select %eq3A_384, %jit3A_385, %jit3A_382 : i32
        %rem3A_387 = arith.remsi %add3A_381, %select_n3A_386 : i32
        %ne3A_388 = arith.constant 0 : i32
        %ne3A_389 = arith.cmpi ne, %rem3A_387, %ne3A_388 : i32
        %lt3A_390 = arith.constant 0 : i32
        %lt3A_391 = arith.cmpi slt, %rem3A_387, %lt3A_390 : i32
        %lt3A_392 = arith.constant 0 : i32
        %lt3A_393 = arith.cmpi slt, %select_n3A_386, %lt3A_392 : i32
        %ne3A_394 = arith.xori %lt3A_391, %lt3A_393 : i1
        %and3A_395 = arith.andi %ne3A_394, %ne3A_389 : i1
        %add3A_396 = arith.addi %rem3A_387, %select_n3A_386 : i32
        %select_n3A_397 = arith.select %and3A_395, %add3A_396, %rem3A_387 : i32
        %mul3A_398 = arith.constant 128 : i32
        %mul3A_399 = arith.muli %select_n3A_397, %mul3A_398 : i32
        %dma_wait3A_400 = arith.constant 0 : i32
        %dma_wait3A_401 = tpu.memref_slice %arg4[%select_n3A_380, %mul3A_399, %dma_wait3A_400] : memref<200x1024x128xf32, #tpu.memory_space<hbm>> -> memref<1x128x128xf32, #tpu.memory_space<hbm>>
        %dma_wait3A_402 = tpu.memref_squeeze %dma_wait3A_401 : memref<1x128x128xf32, #tpu.memory_space<hbm>> -> memref<128x128xf32, #tpu.memory_space<hbm>>
        %dma_wait3A_403 = arith.constant 0 : i32
        %dma_wait3A_404 = tpu.memref_slice %arg4[%select_n3A_380, %mul3A_399, %dma_wait3A_403] : memref<200x1024x128xf32, #tpu.memory_space<hbm>> -> memref<1x128x128xf32, #tpu.memory_space<hbm>>
        %dma_wait3A_405 = tpu.memref_squeeze %dma_wait3A_404 : memref<1x128x128xf32, #tpu.memory_space<hbm>> -> memref<128x128xf32, #tpu.memory_space<hbm>>
        tpu.wait_dma2 semaphore(%arg13 : memref<!tpu.dma_semaphore, #tpu.memory_space<semaphore_mem>>) src(%arg7 : memref<128x128xf32, #tpu.memory_space<vmem>>) dst(%dma_wait3A_405 : memref<128x128xf32, #tpu.memory_space<hbm>>)
      } else {
      }
      %add3A_286 = arith.constant 1 : i32
      %add3A_287 = arith.addi %add3A_280, %add3A_286 : i32
      %lt3A_288 = arith.constant 50 : i32
      %lt3A_289 = arith.cmpi slt, %add3A_287, %lt3A_288 : i32
      %convert_element_type3A_290 = arith.extui %lt3A_289 : i1 to i32
      %cond3A_291 = arith.constant 0 : i32
      %cond3A_292 = arith.cmpi ne, %convert_element_type3A_290, %cond3A_291 : i32
      scf.if %cond3A_292 {
        %add3A_354 = arith.constant 1 : i32
        %add3A_355 = arith.addi %add3A_280, %add3A_354 : i32
        %add3A_356 = arith.addi %mul3A_2, %add3A_355 : i32
        %jit3A_357 = arith.constant 8 : i32
        %div3A_358 = arith.divsi %add3A_356, %jit3A_357 : i32
        %sign3A_359 = arith.constant 0 : i32
        %sign3A_360 = arith.cmpi sgt, %add3A_356, %sign3A_359 : i32
        %sign3A_361 = arith.extui %sign3A_360 : i1 to i32
        %sign3A_362 = arith.constant 0 : i32
        %sign3A_363 = arith.cmpi slt, %add3A_356, %sign3A_362 : i32
        %sign3A_364 = arith.extui %sign3A_363 : i1 to i32
        %sign3A_365 = arith.subi %sign3A_361, %sign3A_364 : i32
        %sign3A_366 = arith.constant 0 : i32
        %sign3A_367 = arith.cmpi sgt, %jit3A_357, %sign3A_366 : i32
        %sign3A_368 = arith.extui %sign3A_367 : i1 to i32
        %sign3A_369 = arith.constant 0 : i32
        %sign3A_370 = arith.cmpi slt, %jit3A_357, %sign3A_369 : i32
        %sign3A_371 = arith.extui %sign3A_370 : i1 to i32
        %sign3A_372 = arith.subi %sign3A_368, %sign3A_371 : i32
        %ne3A_373 = arith.cmpi ne, %sign3A_365, %sign3A_372 : i32
        %rem3A_374 = arith.remsi %add3A_356, %jit3A_357 : i32
        %ne3A_375 = arith.constant 0 : i32
        %ne3A_376 = arith.cmpi ne, %rem3A_374, %ne3A_375 : i32
        %and3A_377 = arith.andi %ne3A_373, %ne3A_376 : i1
        %sub3A_378 = arith.constant 1 : i32
        %sub3A_379 = arith.subi %div3A_358, %sub3A_378 : i32
        %select_n3A_380 = arith.select %and3A_377, %sub3A_379, %div3A_358 : i32
        %add3A_381 = arith.addi %mul3A_2, %add3A_355 : i32
        %jit3A_382 = arith.constant 8 : i32
        %eq3A_383 = arith.constant 0 : i32
        %eq3A_384 = arith.cmpi eq, %jit3A_382, %eq3A_383 : i32
        %jit3A_385 = arith.constant 1 : i32
        %select_n3A_386 = arith.select %eq3A_384, %jit3A_385, %jit3A_382 : i32
        %rem3A_387 = arith.remsi %add3A_381, %select_n3A_386 : i32
        %ne3A_388 = arith.constant 0 : i32
        %ne3A_389 = arith.cmpi ne, %rem3A_387, %ne3A_388 : i32
        %lt3A_390 = arith.constant 0 : i32
        %lt3A_391 = arith.cmpi slt, %rem3A_387, %lt3A_390 : i32
        %lt3A_392 = arith.constant 0 : i32
        %lt3A_393 = arith.cmpi slt, %select_n3A_386, %lt3A_392 : i32
        %ne3A_394 = arith.xori %lt3A_391, %lt3A_393 : i1
        %and3A_395 = arith.andi %ne3A_394, %ne3A_389 : i1
        %add3A_396 = arith.addi %rem3A_387, %select_n3A_386 : i32
        %select_n3A_397 = arith.select %and3A_395, %add3A_396, %rem3A_387 : i32
        %mul3A_398 = arith.constant 128 : i32
        %mul3A_399 = arith.muli %select_n3A_397, %mul3A_398 : i32
        %dma_wait3A_400 = tpu.memref_slice %arg3[%select_n3A_380, %mul3A_399] : memref<200x1024xi32, #tpu.memory_space<hbm>> -> memref<1x128xi32, #tpu.memory_space<hbm>>
        %dma_wait3A_401 = tpu.memref_squeeze %dma_wait3A_400 : memref<1x128xi32, #tpu.memory_space<hbm>> -> memref<128xi32, #tpu.memory_space<hbm>>
        %dma_wait3A_402 = tpu.memref_slice %arg3[%select_n3A_380, %mul3A_399] : memref<200x1024xi32, #tpu.memory_space<hbm>> -> memref<1x128xi32, #tpu.memory_space<hbm>>
        %dma_wait3A_403 = tpu.memref_squeeze %dma_wait3A_402 : memref<1x128xi32, #tpu.memory_space<hbm>> -> memref<128xi32, #tpu.memory_space<hbm>>
        tpu.wait_dma2 semaphore(%arg9 : memref<!tpu.dma_semaphore, #tpu.memory_space<semaphore_mem>>) src(%dma_wait3A_403 : memref<128xi32, #tpu.memory_space<hbm>>) dst(%arg5 : memref<128xi32, #tpu.memory_space<vmem>>)
        %dma_start3A_404 = arith.constant 0 : i32
        %dma_start3A_405 = arith.constant 0 : i32
        %dma_start3A_406 = tpu.memref_slice %arg2[%dma_start3A_404, %dma_start3A_405] : memref<1000x128xf32, #tpu.memory_space<hbm>> -> memref<1000x128xf32, #tpu.memory_space<hbm>>
        tpu.enqueue_indirect_dma source(%dma_start3A_406 : memref<1000x128xf32, #tpu.memory_space<hbm>>) target(%arg7 : memref<128x128xf32, #tpu.memory_space<vmem>>) offsets(%arg5 : memref<128xi32, #tpu.memory_space<vmem>>) semaphore(%arg11 : memref<!tpu.dma_semaphore, #tpu.memory_space<semaphore_mem>>)
      } else {
      }
      %dma_wait3A_293 = arith.constant 0 : i32
      %dma_wait3A_294 = arith.constant 0 : i32
      %dma_wait3A_295 = tpu.memref_slice %arg2[%dma_wait3A_293, %dma_wait3A_294] : memref<1000x128xf32, #tpu.memory_space<hbm>> -> memref<1000x128xf32, #tpu.memory_space<hbm>>
      tpu.wait_indirect_dma semaphore(%arg12 : memref<!tpu.dma_semaphore, #tpu.memory_space<semaphore_mem>>) src(%dma_wait3A_295 : memref<1000x128xf32, #tpu.memory_space<hbm>>) dst(%arg8 : memref<128x128xf32, #tpu.memory_space<vmem>>)
      %add3A_296 = arith.addi %mul3A_2, %add3A_280 : i32
      %jit3A_297 = arith.constant 8 : i32
      %div3A_298 = arith.divsi %add3A_296, %jit3A_297 : i32
      %sign3A_299 = arith.constant 0 : i32
      %sign3A_300 = arith.cmpi sgt, %add3A_296, %sign3A_299 : i32
      %sign3A_301 = arith.extui %sign3A_300 : i1 to i32
      %sign3A_302 = arith.constant 0 : i32
      %sign3A_303 = arith.cmpi slt, %add3A_296, %sign3A_302 : i32
      %sign3A_304 = arith.extui %sign3A_303 : i1 to i32
      %sign3A_305 = arith.subi %sign3A_301, %sign3A_304 : i32
      %sign3A_306 = arith.constant 0 : i32
      %sign3A_307 = arith.cmpi sgt, %jit3A_297, %sign3A_306 : i32
      %sign3A_308 = arith.extui %sign3A_307 : i1 to i32
      %sign3A_309 = arith.constant 0 : i32
      %sign3A_310 = arith.cmpi slt, %jit3A_297, %sign3A_309 : i32
      %sign3A_311 = arith.extui %sign3A_310 : i1 to i32
      %sign3A_312 = arith.subi %sign3A_308, %sign3A_311 : i32
      %ne3A_313 = arith.cmpi ne, %sign3A_305, %sign3A_312 : i32
      %rem3A_314 = arith.remsi %add3A_296, %jit3A_297 : i32
      %ne3A_315 = arith.constant 0 : i32
      %ne3A_316 = arith.cmpi ne, %rem3A_314, %ne3A_315 : i32
      %and3A_317 = arith.andi %ne3A_313, %ne3A_316 : i1
      %sub3A_318 = arith.constant 1 : i32
      %sub3A_319 = arith.subi %div3A_298, %sub3A_318 : i32
      %select_n3A_320 = arith.select %and3A_317, %sub3A_319, %div3A_298 : i32
      %add3A_321 = arith.addi %mul3A_2, %add3A_280 : i32
      %jit3A_322 = arith.constant 8 : i32
      %eq3A_323 = arith.constant 0 : i32
      %eq3A_324 = arith.cmpi eq, %jit3A_322, %eq3A_323 : i32
      %jit3A_325 = arith.constant 1 : i32
      %select_n3A_326 = arith.select %eq3A_324, %jit3A_325, %jit3A_322 : i32
      %rem3A_327 = arith.remsi %add3A_321, %select_n3A_326 : i32
      %ne3A_328 = arith.constant 0 : i32
      %ne3A_329 = arith.cmpi ne, %rem3A_327, %ne3A_328 : i32
      %lt3A_330 = arith.constant 0 : i32
      %lt3A_331 = arith.cmpi slt, %rem3A_327, %lt3A_330 : i32
      %lt3A_332 = arith.constant 0 : i32
      %lt3A_333 = arith.cmpi slt, %select_n3A_326, %lt3A_332 : i32
      %ne3A_334 = arith.xori %lt3A_331, %lt3A_333 : i1
      %and3A_335 = arith.andi %ne3A_334, %ne3A_329 : i1
      %add3A_336 = arith.addi %rem3A_327, %select_n3A_326 : i32
      %select_n3A_337 = arith.select %and3A_335, %add3A_336, %rem3A_327 : i32
      %mul3A_338 = arith.constant 128 : i32
      %mul3A_339 = arith.muli %select_n3A_337, %mul3A_338 : i32
      %dma_start3A_340 = arith.constant 0 : i32
      %dma_start3A_341 = tpu.memref_slice %arg4[%select_n3A_320, %mul3A_339, %dma_start3A_340] : memref<200x1024x128xf32, #tpu.memory_space<hbm>> -> memref<1x128x128xf32, #tpu.memory_space<hbm>>
      %dma_start3A_342 = tpu.memref_squeeze %dma_start3A_341 : memref<1x128x128xf32, #tpu.memory_space<hbm>> -> memref<128x128xf32, #tpu.memory_space<hbm>>
      %dma_start3A_343 = arith.constant 0 : i32
      %dma_start3A_344 = tpu.memref_slice %arg4[%select_n3A_320, %mul3A_339, %dma_start3A_343] : memref<200x1024x128xf32, #tpu.memory_space<hbm>> -> memref<1x128x128xf32, #tpu.memory_space<hbm>>
      %dma_start3A_345 = tpu.memref_squeeze %dma_start3A_344 : memref<1x128x128xf32, #tpu.memory_space<hbm>> -> memref<128x128xf32, #tpu.memory_space<hbm>>
      tpu.enqueue_dma source(%arg8 : memref<128x128xf32, #tpu.memory_space<vmem>>) target(%dma_start3A_345 : memref<128x128xf32, #tpu.memory_space<hbm>>) target_semaphore(%arg14 : memref<!tpu.dma_semaphore, #tpu.memory_space<semaphore_mem>>)
      %add3A_346 = arith.constant 2 : i32
      %add3A_347 = arith.addi %add3A_280, %add3A_346 : i32
      %lt3A_348 = arith.constant 50 : i32
      %lt3A_349 = arith.cmpi slt, %add3A_347, %lt3A_348 : i32
      %convert_element_type3A_350 = arith.extui %lt3A_349 : i1 to i32
      %cond3A_351 = arith.constant 0 : i32
      %cond3A_352 = arith.cmpi ne, %convert_element_type3A_350, %cond3A_351 : i32
      scf.if %cond3A_352 {
        %add3A_354 = arith.constant 2 : i32
        %add3A_355 = arith.addi %add3A_280, %add3A_354 : i32
        %add3A_356 = arith.addi %mul3A_2, %add3A_355 : i32
        %jit3A_357 = arith.constant 8 : i32
        %div3A_358 = arith.divsi %add3A_356, %jit3A_357 : i32
        %sign3A_359 = arith.constant 0 : i32
        %sign3A_360 = arith.cmpi sgt, %add3A_356, %sign3A_359 : i32
        %sign3A_361 = arith.extui %sign3A_360 : i1 to i32
        %sign3A_362 = arith.constant 0 : i32
        %sign3A_363 = arith.cmpi slt, %add3A_356, %sign3A_362 : i32
        %sign3A_364 = arith.extui %sign3A_363 : i1 to i32
        %sign3A_365 = arith.subi %sign3A_361, %sign3A_364 : i32
        %sign3A_366 = arith.constant 0 : i32
        %sign3A_367 = arith.cmpi sgt, %jit3A_357, %sign3A_366 : i32
        %sign3A_368 = arith.extui %sign3A_367 : i1 to i32
        %sign3A_369 = arith.constant 0 : i32
        %sign3A_370 = arith.cmpi slt, %jit3A_357, %sign3A_369 : i32
        %sign3A_371 = arith.extui %sign3A_370 : i1 to i32
        %sign3A_372 = arith.subi %sign3A_368, %sign3A_371 : i32
        %ne3A_373 = arith.cmpi ne, %sign3A_365, %sign3A_372 : i32
        %rem3A_374 = arith.remsi %add3A_356, %jit3A_357 : i32
        %ne3A_375 = arith.constant 0 : i32
        %ne3A_376 = arith.cmpi ne, %rem3A_374, %ne3A_375 : i32
        %and3A_377 = arith.andi %ne3A_373, %ne3A_376 : i1
        %sub3A_378 = arith.constant 1 : i32
        %sub3A_379 = arith.subi %div3A_358, %sub3A_378 : i32
        %select_n3A_380 = arith.select %and3A_377, %sub3A_379, %div3A_358 : i32
        %add3A_381 = arith.addi %mul3A_2, %add3A_355 : i32
        %jit3A_382 = arith.constant 8 : i32
        %eq3A_383 = arith.constant 0 : i32
        %eq3A_384 = arith.cmpi eq, %jit3A_382, %eq3A_383 : i32
        %jit3A_385 = arith.constant 1 : i32
        %select_n3A_386 = arith.select %eq3A_384, %jit3A_385, %jit3A_382 : i32
        %rem3A_387 = arith.remsi %add3A_381, %select_n3A_386 : i32
        %ne3A_388 = arith.constant 0 : i32
        %ne3A_389 = arith.cmpi ne, %rem3A_387, %ne3A_388 : i32
        %lt3A_390 = arith.constant 0 : i32
        %lt3A_391 = arith.cmpi slt, %rem3A_387, %lt3A_390 : i32
        %lt3A_392 = arith.constant 0 : i32
        %lt3A_393 = arith.cmpi slt, %select_n3A_386, %lt3A_392 : i32
        %ne3A_394 = arith.xori %lt3A_391, %lt3A_393 : i1
        %and3A_395 = arith.andi %ne3A_394, %ne3A_389 : i1
        %add3A_396 = arith.addi %rem3A_387, %select_n3A_386 : i32
        %select_n3A_397 = arith.select %and3A_395, %add3A_396, %rem3A_387 : i32
        %mul3A_398 = arith.constant 128 : i32
        %mul3A_399 = arith.muli %select_n3A_397, %mul3A_398 : i32
        %dma_start3A_400 = tpu.memref_slice %arg3[%select_n3A_380, %mul3A_399] : memref<200x1024xi32, #tpu.memory_space<hbm>> -> memref<1x128xi32, #tpu.memory_space<hbm>>
        %dma_start3A_401 = tpu.memref_squeeze %dma_start3A_400 : memref<1x128xi32, #tpu.memory_space<hbm>> -> memref<128xi32, #tpu.memory_space<hbm>>
        %dma_start3A_402 = tpu.memref_slice %arg3[%select_n3A_380, %mul3A_399] : memref<200x1024xi32, #tpu.memory_space<hbm>> -> memref<1x128xi32, #tpu.memory_space<hbm>>
        %dma_start3A_403 = tpu.memref_squeeze %dma_start3A_402 : memref<1x128xi32, #tpu.memory_space<hbm>> -> memref<128xi32, #tpu.memory_space<hbm>>
        tpu.enqueue_dma source(%dma_start3A_403 : memref<128xi32, #tpu.memory_space<hbm>>) target(%arg6 : memref<128xi32, #tpu.memory_space<vmem>>) target_semaphore(%arg10 : memref<!tpu.dma_semaphore, #tpu.memory_space<semaphore_mem>>)
      } else {
      }
      %scan3A_353 = arith.constant 0 : i32
      scf.yield %scan3A_353 : i32
    }
    %scan3A_149 = arith.constant 25 : i32
    %add3A_150 = arith.constant 49 : i32
    %add3A_151 = arith.addi %mul3A_2, %add3A_150 : i32
    %jit3A_152 = arith.constant 8 : i32
    %div3A_153 = arith.divsi %add3A_151, %jit3A_152 : i32
    %sign3A_154 = arith.constant 0 : i32
    %sign3A_155 = arith.cmpi sgt, %add3A_151, %sign3A_154 : i32
    %sign3A_156 = arith.extui %sign3A_155 : i1 to i32
    %sign3A_157 = arith.constant 0 : i32
    %sign3A_158 = arith.cmpi slt, %add3A_151, %sign3A_157 : i32
    %sign3A_159 = arith.extui %sign3A_158 : i1 to i32
    %sign3A_160 = arith.subi %sign3A_156, %sign3A_159 : i32
    %sign3A_161 = arith.constant 0 : i32
    %sign3A_162 = arith.cmpi sgt, %jit3A_152, %sign3A_161 : i32
    %sign3A_163 = arith.extui %sign3A_162 : i1 to i32
    %sign3A_164 = arith.constant 0 : i32
    %sign3A_165 = arith.cmpi slt, %jit3A_152, %sign3A_164 : i32
    %sign3A_166 = arith.extui %sign3A_165 : i1 to i32
    %sign3A_167 = arith.subi %sign3A_163, %sign3A_166 : i32
    %ne3A_168 = arith.cmpi ne, %sign3A_160, %sign3A_167 : i32
    %rem3A_169 = arith.remsi %add3A_151, %jit3A_152 : i32
    %ne3A_170 = arith.constant 0 : i32
    %ne3A_171 = arith.cmpi ne, %rem3A_169, %ne3A_170 : i32
    %and3A_172 = arith.andi %ne3A_168, %ne3A_171 : i1
    %sub3A_173 = arith.constant 1 : i32
    %sub3A_174 = arith.subi %div3A_153, %sub3A_173 : i32
    %select_n3A_175 = arith.select %and3A_172, %sub3A_174, %div3A_153 : i32
    %add3A_176 = arith.constant 49 : i32
    %add3A_177 = arith.addi %mul3A_2, %add3A_176 : i32
    %jit3A_178 = arith.constant 8 : i32
    %eq3A_179 = arith.constant 0 : i32
    %eq3A_180 = arith.cmpi eq, %jit3A_178, %eq3A_179 : i32
    %jit3A_181 = arith.constant 1 : i32
    %select_n3A_182 = arith.select %eq3A_180, %jit3A_181, %jit3A_178 : i32
    %rem3A_183 = arith.remsi %add3A_177, %select_n3A_182 : i32
    %ne3A_184 = arith.constant 0 : i32
    %ne3A_185 = arith.cmpi ne, %rem3A_183, %ne3A_184 : i32
    %lt3A_186 = arith.constant 0 : i32
    %lt3A_187 = arith.cmpi slt, %rem3A_183, %lt3A_186 : i32
    %lt3A_188 = arith.constant 0 : i32
    %lt3A_189 = arith.cmpi slt, %select_n3A_182, %lt3A_188 : i32
    %ne3A_190 = arith.xori %lt3A_187, %lt3A_189 : i1
    %and3A_191 = arith.andi %ne3A_190, %ne3A_185 : i1
    %add3A_192 = arith.addi %rem3A_183, %select_n3A_182 : i32
    %select_n3A_193 = arith.select %and3A_191, %add3A_192, %rem3A_183 : i32
    %mul3A_194 = arith.constant 128 : i32
    %mul3A_195 = arith.muli %select_n3A_193, %mul3A_194 : i32
    %dma_wait3A_196 = arith.constant 0 : i32
    %dma_wait3A_197 = tpu.memref_slice %arg4[%select_n3A_175, %mul3A_195, %dma_wait3A_196] : memref<200x1024x128xf32, #tpu.memory_space<hbm>> -> memref<1x128x128xf32, #tpu.memory_space<hbm>>
    %dma_wait3A_198 = tpu.memref_squeeze %dma_wait3A_197 : memref<1x128x128xf32, #tpu.memory_space<hbm>> -> memref<128x128xf32, #tpu.memory_space<hbm>>
    %dma_wait3A_199 = arith.constant 0 : i32
    %dma_wait3A_200 = tpu.memref_slice %arg4[%select_n3A_175, %mul3A_195, %dma_wait3A_199] : memref<200x1024x128xf32, #tpu.memory_space<hbm>> -> memref<1x128x128xf32, #tpu.memory_space<hbm>>
    %dma_wait3A_201 = tpu.memref_squeeze %dma_wait3A_200 : memref<1x128x128xf32, #tpu.memory_space<hbm>> -> memref<128x128xf32, #tpu.memory_space<hbm>>
    tpu.wait_dma2 semaphore(%arg14 : memref<!tpu.dma_semaphore, #tpu.memory_space<semaphore_mem>>) src(%arg8 : memref<128x128xf32, #tpu.memory_space<vmem>>) dst(%dma_wait3A_201 : memref<128x128xf32, #tpu.memory_space<hbm>>)
    return
  }
}

module attributes {stable_mosaic.version = 14 : i64} {
  func.func @_head_body(%arg0: i32, %arg1: i32, %arg2: memref<1x1024x128xf32, #tpu.memory_space<vmem>>, %arg3: memref<1000x32xf32, #tpu.memory_space<vmem>>, %arg4: memref<1000x1xf32, #tpu.memory_space<vmem>>, %arg5: memref<1x1000x1024xf32, #tpu.memory_space<vmem>>) attributes {dimension_semantics = [#tpu.dimension_semantics<arbitrary>, #tpu.dimension_semantics<arbitrary>], iteration_bounds = array<i64: 200, 1>, scalar_prefetch = 0 : i64, scratch_operands = 0 : i64, tpu.core_type = #tpu.core_type<tc>, window_params = [{transform_indices = @transform_0, window_bounds = array<i64: 1, 1024, 128>}, {pipeline_mode = #tpu.pipeline_mode<synchronous>, transform_indices = @transform_1, window_bounds = array<i64: 1000, 32>}, {pipeline_mode = #tpu.pipeline_mode<synchronous>, transform_indices = @transform_2, window_bounds = array<i64: 1000, 1>}, {transform_indices = @transform_3, window_bounds = array<i64: 1, 1000, 1024>}]} {
    %get3A = arith.constant 0 : index
    %get3A_0 = arith.constant 0 : index
    %get3A_1 = arith.constant 0 : index
    %get3A_2 = vector.load %arg2[%get3A, %get3A_0, %get3A_1] : memref<1x1024x128xf32, #tpu.memory_space<vmem>>, vector<1x1024x128xf32>
    %get3A_3 = vector.shape_cast %get3A_2 : vector<1x1024x128xf32> to vector<1024x128xf32>
    %slice3A = vector.extract_strided_slice %get3A_3 {offsets = [0, 0], sizes = [1024, 32], strides = [1, 1]} : vector<1024x128xf32> to vector<1024x32xf32>
    %get3A_4 = arith.constant 0 : index
    %get3A_5 = arith.constant 0 : index
    %get3A_6 = vector.load %arg3[%get3A_4, %get3A_5] : memref<1000x32xf32, #tpu.memory_space<vmem>>, vector<1000x32xf32>
    %dot_general3A = arith.constant dense<0.000000e+00> : vector<1000x1024xf32>
    %dot_general3A_7 = tpu.matmul %get3A_6, %slice3A, %dot_general3A {dimension_numbers = #tpu.dot_dimension_numbers<[1], [1], [0], [0], [0, 0, 1, 0], [], []>, transpose_lhs_hint = false} : vector<1000x32xf32>, vector<1024x32xf32>, vector<1000x1024xf32> -> vector<1000x1024xf32>
    %get3A_8 = arith.constant 0 : index
    %get3A_9 = arith.constant 0 : index
    %get3A_10 = vector.load %arg4[%get3A_8, %get3A_9] : memref<1000x1xf32, #tpu.memory_space<vmem>>, vector<1000x1xf32>
    %add3A = vector.broadcast %get3A_10 : vector<1000x1xf32> to vector<1000x1024xf32>
    %add3A_11 = arith.addf %dot_general3A_7, %add3A : vector<1000x1024xf32>
    %swap3A = arith.constant 0 : index
    %swap3A_12 = arith.constant 0 : index
    %swap3A_13 = arith.constant 0 : index
    %swap3A_14 = vector.load %arg5[%swap3A, %swap3A_12, %swap3A_13] : memref<1x1000x1024xf32, #tpu.memory_space<vmem>>, vector<1x1000x1024xf32>
    %swap3A_15 = vector.shape_cast %swap3A_14 : vector<1x1000x1024xf32> to vector<1000x1024xf32>
    %swap3A_16 = vector.shape_cast %add3A_11 : vector<1000x1024xf32> to vector<1x1000x1024xf32>
    tpu.vector_store %arg5[%swap3A, %swap3A_12, %swap3A_13], %swap3A_16 {strides = array<i32>} : memref<1x1000x1024xf32, #tpu.memory_space<vmem>>, vector<1x1000x1024xf32>,
    return
  }
  func.func @transform_0(%arg0: i32, %arg1: i32) -> (i32, i32, i32) {
    %c0_i32 = arith.constant 0 : i32
    %c0_i32_0 = arith.constant 0 : i32
    return %arg0, %arg1, %c0_i32 : i32, i32, i32
  }
  func.func @transform_1(%arg0: i32, %arg1: i32) -> (i32, i32) {
    %c0_i32 = arith.constant 0 : i32
    %c0_i32_0 = arith.constant 0 : i32
    %c0_i32_1 = arith.constant 0 : i32
    return %c0_i32, %c0_i32_0 : i32, i32
  }
  func.func @transform_2(%arg0: i32, %arg1: i32) -> (i32, i32) {
    %c0_i32 = arith.constant 0 : i32
    %c0_i32_0 = arith.constant 0 : i32
    %c0_i32_1 = arith.constant 0 : i32
    return %c0_i32, %c0_i32_0 : i32, i32
  }
  func.func @transform_3(%arg0: i32, %arg1: i32) -> (i32, i32, i32) {
    %c0_i32 = arith.constant 0 : i32
    %c0_i32_0 = arith.constant 0 : i32
    return %arg0, %c0_i32, %arg1 : i32, i32, i32
  }
}

</mosaic_0001>

<sc_bundles>
// kernel: kernel.4.cloned.1.call-start
scs
__scs_entry_jumppad:
0x0: {  	(pc) =	sbr.rel $0x88, $3  }
0x1: {  	(tag) =	ssettag $0x0;
	lr =	simm.s32 $0x1  }
0x2: {  	[smem:$0x3F9D] =	sst lr;
	_ =	strace $0xD0000000  }
0x3: {  	_ = 	snop  }
0x4: {  	_ = 	snop  }
0x5: {  	_ = 	snop  }
0x6: {  	_ = 	snop  }
0x7: {  	_ = 	snop  }
__scs_overlays_trampoline_lowered:
0x8: {  	[smem:$0x3FAC] =	sst s0  }
0x9: {  	[smem:$0x3FAD] =	sst s1  }
0xa: {  	[smem:$0x3FAE] =	sst s2  }
0xb: {  	[smem:$0x3FAF] =	sst s3  }
0xc: {  	[smem:$0x3FB0] =	sst s4  }
0xd: {  	[smem:$0x3FB1] =	sst s5  }
0xe: {  	[smem:$0x3FB2] =	sst s6  }
0xf: {  	[smem:$0x3FB3] =	sst s7  }
0x10: {  	[smem:$0x3FB4] =	sst s8  }
0x11: {  	[smem:$0x3FB5] =	sst s9;
	s0 =	simm.s32 @!p0 $0x0  }
0x12: {  	s1 =	sld [smem:$0x3F9B];
	s0 =	simm.s32 @p0 $0x1  }
0x13: {  	[smem:$0x3FB6] =	sst s0;
	s0 =	simm.s32 @!p1 $0x0  }
0x14: {  	s2 =	sld [smem:$0x3F9A];
	s0 =	simm.s32 @p1 $0x1  }
0x15: {  	[smem:$0x3FB7] =	sst s0;
	s0 =	simm.s32 @!p2 $0x0  }
0x16: {  	s3 =	sld [smem:$0x3FDB];
	s0 =	simm.s32 @p2 $0x1  }
0x17: {  	s4 =	simm.s32 $0x1BF5;
	[smem:$0x3FB9] =	sst s0  }
0x18: {  	s0 =	sld [smem:$0x3F9C];
	_ =	swait.ge [sflag:s4], $0x0  }
0x19: {  	s7 =	sld [smem:$0x3F9D]  }
0x1a: {  	s8 =	sadd.s32 $0xFFFFE003, lr  }
0x1b: {  	s9 =	sadd.s32 $0xFFFFFEF7, lr;
	s5 =	simm.s32 $0xFFFFFFFF;
	p2 =	slt.u32 s8, $0xFFFFF086  }
0x1c: {  	p1 =	slt.u32 s9, $0xF7A;
	s5 =	simm.s32 @!p2 $0x0  }
0x1d: {  	s5 =	simm.s32 @p1 $0x1;
	p0 =	seq.s32 s7, s2  }
0x1e: {  	s7 =	smul.u32 @!p0 $0xF7A, s2;
	p2 =	seq.s32 @!p0 s5, $0x0  }
0x1f: {  	s9 =	smul.u32 $0xF7A, s1;
	s8 =	simm.s32 @!p0 $0x1BF5;
	p2 =	por !p2, p0  }
0x20: {  	[sflag:s8] =	ssyncset.s32 @!p0 $0xFFFFF086;
	s6 =	sadd.s32 @!p0 s3, s7;
	s7 =	simm.s32 @!p0 $0x108  }
0x21: {  	s3 =	sadd.s32 s3, s9;
	s6 =	sadd.s32 @!p0 $0x88, s6;
	s7 =	simm.s32 @p2 $0x1082  }
0x22: {  	[simem:s7], [sflag:s8] =	dma.local @!p0 [hbm:s6], $0xF7A  }
0x23: {  	s9 =	sor.u32 $0xD0000000, s2;
	s6 =	simm.s32 $0x108;
	_ =	swait.ge @!p0 [sflag:s8], $0x0  }
0x24: {  	s3 =	sadd.s32 $0x88, s3;
	s6 =	simm.s32 @!p1 $0x1082;
	[sflag:s4] =	ssyncset.s32 $0xFFFFF086  }
0x25: {  	[simem:s6], [sflag:s4] =	dma.local [hbm:s3], $0xF7A  }
0x26: {  	[smem:$0x3F9D] =	sst s1;
	(tag) =	ssettag s2;
	_ =	strace s9  }
0x27: {  	s1 =	sld [smem:$0x3FAD]  }
0x28: {  	s2 =	sld [smem:$0x3FAE]  }
0x29: {  	s4 =	sld [smem:$0x3FB0]  }
0x2a: {  	p0 =	seq.s32 s5, $0x0;
	s5 =	sld [smem:$0x3FB1]  }
0x2b: {  	s6 =	sld [smem:$0x3FB2]  }
0x2c: {  	s7 =	sld [smem:$0x3FB3]  }
0x2d: {  	s3 =	simm.s32 $0x108;
	s8 =	sld [smem:$0x3FB4]  }
0x2e: {  	s3 =	simm.s32 @!p0 $0x1082;
	s9 =	sld [smem:$0x3FB5]  }
0x2f: {  	lr =	sadd.s32 s0, s3;
	s0 =	sld [smem:$0x3FAC]  }
0x30: {  	s3 =	sld [smem:$0x3FAF]  }
0x31: {  	[smem:$0x3FB8] =	sst s10  }
0x32: {  	s10 =	sld [smem:$0x3FB6];
	_ =	sdelay $0x3  }
0x33: {  	p0 =	seq.s32 s10, $0x1;
	s10 =	sld [smem:$0x3FB8];
	_ =	sdelay $0x3  }
0x34: {  	[smem:$0x3FB8] =	sst s10  }
0x35: {  	s10 =	sld [smem:$0x3FB7];
	_ =	sdelay $0x3  }
0x36: {  	p1 =	seq.s32 s10, $0x1;
	s10 =	sld [smem:$0x3FB8];
	_ =	sdelay $0x3  }
0x37: {  	[smem:$0x3FB8] =	sst s10  }
0x38: {  	s10 =	sld [smem:$0x3FB9]  }
0x39: {  	_ = 	snop;
	(pc) =	sbr.ind lr, $3  }
0x3a: {  	_ = 	snop  }
0x3b: {  	_ = 	snop  }
0x3c: {  	p2 =	seq.s32 s10, $0x1;
	s10 =	sld [smem:$0x3FB8]  }
0x3d: {  	_ =	shalt  }
0x3e: {  	_ =	shalt  }
0x3f: {  	_ =	shalt  }
0x40: {  	_ =	shalt  }
0x41: {  	_ =	shalt  }
0x42: {  	_ =	shalt  }
0x43: {  	_ =	shalt  }
0x44: {  	_ =	shalt  }
0x45: {  	_ =	shalt  }
0x46: {  	_ =	shalt  }
0x47: {  	_ =	shalt  }
0x48: {  	_ =	shalt  }
0x49: {  	_ =	shalt  }
0x4a: {  	_ =	shalt  }
0x4b: {  	_ =	shalt  }
0x4c: {  	_ =	shalt  }
0x4d: {  	_ =	shalt  }
0x4e: {  	_ =	shalt  }
0x4f: {  	_ =	shalt  }
0x50: {  	_ =	shalt  }
0x51: {  	_ =	shalt  }
0x52: {  	_ =	shalt  }
0x53: {  	_ =	shalt  }
0x54: {  	_ =	shalt  }
0x55: {  	_ =	shalt  }
0x56: {  	_ =	shalt  }
0x57: {  	_ =	shalt  }
0x58: {  	_ =	shalt  }
0x59: {  	_ =	shalt  }
0x5a: {  	_ =	shalt  }
0x5b: {  	_ =	shalt  }
0x5c: {  	_ =	shalt  }
0x5d: {  	_ =	shalt  }
0x5e: {  	_ =	shalt  }
0x5f: {  	_ =	shalt  }
0x60: {  	_ =	shalt  }
0x61: {  	_ =	shalt  }
0x62: {  	_ =	shalt  }
0x63: {  	_ =	shalt  }
0x64: {  	_ =	shalt  }
0x65: {  	_ =	shalt  }
0x66: {  	_ =	shalt  }
0x67: {  	_ =	shalt  }
0x68: {  	_ =	shalt  }
0x69: {  	_ =	shalt  }
0x6a: {  	_ =	shalt  }
0x6b: {  	_ =	shalt  }
0x6c: {  	_ =	shalt  }
0x6d: {  	_ =	shalt  }
0x6e: {  	_ =	shalt  }
0x6f: {  	_ =	shalt  }
0x70: {  	_ =	shalt  }
0x71: {  	_ =	shalt  }
0x72: {  	_ =	shalt  }
0x73: {  	_ =	shalt  }
0x74: {  	_ =	shalt  }
0x75: {  	_ =	shalt  }
0x76: {  	_ =	shalt  }
0x77: {  	_ =	shalt  }
0x78: {  	_ =	shalt  }
0x79: {  	_ =	shalt  }
0x7a: {  	_ =	shalt  }
0x7b: {  	_ =	shalt  }
0x7c: {  	_ =	shalt  }
0x7d: {  	_ =	shalt  }
0x7e: {  	_ =	shalt  }
0x7f: {  	_ =	shalt  }
0x80: {  	_ =	shalt  }
0x81: {  	_ =	shalt  }
0x82: {  	_ =	shalt  }
0x83: {  	_ =	shalt  }
0x84: {  	_ =	shalt  }
0x85: {  	_ =	shalt  }
0x86: {  	_ =	shalt  }
0x87: {  	_ =	shalt  }
.Lfunc_end0:
.L_simem_size_0:
called_computation_lowered:
.L_overlay_start_0:
0x88: {  	s2 =	sld [smem:$0x3FD9]  }
0x89: {  	s3 =	sld [smem:$0x3FFE];
	_ =	sdelay $0x1  }
0x8a: {  	s1 =	srdreg.scid  }
0x8b: {  	s0 =	sand.u32 $0x1, s1  }
0x8c: {  	s17 =	sshll.u32 s0, $0xA;
	s2 =	sadd.s32 s3, s2  }
0x8d: {  	s2 =	sadd.s32 s2, s17  }
0x8e: {  	[smem:$0x3FC4] =	sst s2  }
0x8f: {  	_ = 	snop  }
0x90: {  	s2 =	sld [smem:$0x3FC9]  }
0x91: {  	s18 =	sld [smem:$0x3FD0];
	(tm) =	ssettm $0x1  }
0x92: {  	s4 =	sld [smem:$0x3FFB];
	_ =	sdelay $0x3  }
0x93: {  	_ =	strace s4  }
0x94: {  	s4 =	sld [smem:$0x3FFC];
	_ =	sdelay $0x3  }
0x95: {  	_ =	strace s4  }
0x96: {  	s4 =	sld [smem:$0x3FFD];
	_ =	sdelay $0x3  }
0x97: {  	_ =	strace s4  }
0x98: {  	_ =	strace $0x8FFFFFFF  }
0x99: {  	s19 =	sld [smem:$0x3FDB];
	_ =	sdelay $0x1  }
0x9a: {  	s5 =	simm.s32 $_scs_section_size  }
0x9b: {  	s6 =	simm.s32 $_size__tile_overlayer_lowered;
	s7 =	simm.s32 $_tile_overlayer_lowered  }
0x9c: {  	s22 =	simm.s32 $0x1BFF;
	s21 =	sshll.u32 s7, $0x1;
	s4 =	sadd.s32 s5, s19  }
0x9d: {  	s8 =	simm.s32 $0x0;
	s20 =	sshll.u32 s6, $0x1;
	s6 =	sadd.s32 s21, s4  }
0x9e: {  	[timem:s8], [sflag:s22] =	dma.local [hbm:s6], s20  }
0x9f: {  	_ =	swait.ge [sflag:s22], s20  }
0xa0: {  	s5 =	ssub.s32 $0x0, s20;
	[sflag:s22] =	ssyncset.done $0x0  }
0xa1: {  	[sflag:s22] =	ssyncadd.s32 s5;
	_ =	sdelay $0x1  }
0xa2: {  	s23 =	simm.s32 $0x1B8B  }
0xa3: {  	_ =	swait.ge [sflag:s23], $0x1  }
0xa4: {  	[sflag:s23] =	ssyncset.done $0x0  }
0xa5: {  	s25 =	simm.s32 $0x1B8E;
	s24 =	sld [smem:$0x3FFE];
	[sflag:s23] =	ssyncadd.s32 $0xFFFFFFFF  }
0xa6: {  	s26 =	simm.s32 $execute0_lowered;
	[smem:$0x3FD2] =	sst s25  }
0xa7: {  	s6 =	sshll.u32 s26, $0x1;
	_ =	strace $0x80000046;
	[dreg:$0x1] =	wrdreg $0xFFFFFFFF  }
0xa8: {  	s28 =	simm.s32 $_size_execute0_lowered;
	s4 =	sadd.s32 s4, s6;
	[dreg:$0x0] =	wrdreg $0x0  }
0xa9: {  	s6 =	sshll.u32 s28, $0x1;
	[dreg:$0x2] =	wrdreg s4  }
0xaa: {  	[dreg:$0x3] =	wrdreg s6  }
0xab: {  	[dreg:$0x4] =	wrdreg $0xC0  }
0xac: {  	_ =	task [dreg:s8], $0x5FFFF  }
0xad: {  	[dreg:$0x1] =	wrdreg $0xFFFFFFFF  }
0xae: {  	[dreg:$0x0] =	wrdreg $0x60  }
0xaf: {  	[dreg:$0x2] =	wrdreg s18  }
0xb0: {  	[dreg:$0x3] =	wrdreg s2  }
0xb1: {  	[dreg:$0x4] =	wrdreg s24  }
0xb2: {  	[dreg:$0x5] =	wrdreg $0x9  }
0xb3: {  	_ =	task.clear_ibuf [dreg:s8], $0x6FFFF;
	_ =	strace $0x90000046  }
0xb4: {  	s29 =	simm.s32 $0x9;
	_ =	strace $0x80000048  }
0xb5: {  	_ =	swait.ge [sflag:s29], $0x1  }
0xb6: {  	[sflag:s29] =	ssyncadd.s32 $0xFFFFFFFF  }
0xb7: {  	_ =	strace $0x90000048  }
0xb8: {  	_ =	sfence  }
0xb9: {  	s30 =	sld [smem:$0x0];
	_ =	sdelay $0x2  }
0xba: {  	s31 =	sshll.u32 s1, $0xD;
	s1 =	sshrl.u32 s1, $0x2  }
0xbb: {  	s3 =	sand.u32 $0x4000, s31;
	s1 =	sadd.s32 s1, s30  }
0xbc: {  	s0 =	sor.u32 s3, s0;
	s1 =	sshll.u32 s1, $0x11  }
0xbd: {  	s0 =	sor.u32 s1, s0  }
0xbe: {  	s0 =	sadd.s32 $0x8F2B, s0  }
0xbf: {  	[sflag:s0] =	ssyncadd.remote.s32 $0x1  }
0xc0: {  	_ =	sfence.sel $0xFFFF  }
0xc1: {  	[dreg:$0x0] =	wrdreg $0xFFFFFFFF;
	(pc) =	sbr.abs _section_cstart, $3  }
0xc2: {  	[dreg:$0x1] =	wrdreg $0xFFFFFFFF  }
0xc3: {  	_ =	task.clear_ibuf [dreg:s8], $0x2FFFF;
	_ =	strace $0x9FFFFFFF  }
0xc4: {  	(tm) =	ssettm $0x7FFFFFFF  }
0xc5: {  	_ =	shalt  }
tec
execute0_lowered:
.L_overlay_start_1:
0x0: {  	(tag) =	ssettag $0x1  }
0x1: {  	s1 =	rddreg [dreg:$0x0]  }
0x2: {  	s3 =	rddreg [dreg:$0x1];
	s2 =	srdreg.scid  }
0x3: {  	s0 =	stileid.u32;
	s5 =	rddreg [dreg:$0x2];
	s4 =	simm.s32 $0x0  }
0x4: {  	s16 =	simm.s32 $0x4100;
	s17 =	simm.s32 $0x3;
	s18 =	simm.s32 $0x4  }
0x5: {  	s19 =	simm.s32 $0x6;
	s20 =	simm.s32 $0x0;
	s12 =	smul.u32 $0x64, s0  }
0x6: {  	s8 =	sand.u32 $0x1, s2;
	s2 =	rddreg [dreg:$0x3];
	s29 =	smul.u32 $0x3200, s0  }
0x7: {  	s6 =	sshll.u32 s0, $0x1;
	[smem:$0x7FF] =	sst s4;
	s31 =	smul.u32 $0x32000, s0  }
0x8: {  	s10 =	sadd.s32 $0x400, s5;
	s6 =	sor.u32 s8, s6;
	s13 =	smul.u32 $0x32, s8  }
0x9: {  	_ =	strace $0x80000047;
	s9 =	ssub.s32 $0x2, s8;
	s14 =	smul.u32 $0x1900, s8  }
0xa: {  	s7 =	smul.u32 $0x32, s6;
	s28 =	sshrl.u32 s9, $0x1;
	s6 =	sshll.u32 s6, $0x8  }
0xb: {  	s15 =	smul.u32 $0x19000, s8;
	s6 =	sand.u32 $0x300, s6;
	s9 =	ssub.s32 s9, s28  }
0xc: {  	s11 =	sshll.u32 s7, $0x4;
	s7 =	sshll.u32 s7, $0x1;
	s8 =	smax.u32 s9, $0x1  }
0xd: {  	s9 =	sadd.s32 s14, s29;
	s14 =	simm.s32 $0x100;
	s11 =	sand.u32 $0x7C00, s11  }
.Ltmp0:
0xe: {  	s7 =	sand.u32 $0x70, s7;
	s6 =	sor.u32 s6, s11;
	(pc) =	sbr.rel .LBB2_1-.Ltmp0, $4  }
0xf: {  	s30 =	sor.u32 s7, s6;
	s6 =	sadd.s32 s13, s12;
	s12 =	sadd.s32 s31, s10  }
0x10: {  	s5 =	sadd.s32 s3, s30;
	s13 =	sshll.u32 s6, $0xB;
	s11 =	sadd.s32 s15, s12  }
0x11: {  	s12 =	simm.s32 $0x1;
	s15 =	simm.s32 $0x2;
	s13 =	sadd.s32 s13, s10  }
0x12: {  	s7 =	sadd.s32 $0x80, s5;
	s10 =	sadd.s32 $0x800, s13;
	s13 =	simm.s32 $0x80  }
.LBB2_4:
0x13: {  	s20 =	sadd.s32 $0x1, s20  }
0x14: {  	p0 =	sne.s32 s20, s8  }
.Ltmp1:
0x15: {  	_ = 	snop;
	(pc) =	sbr.rel @!p0 .LBB2_5-.Ltmp1, $4  }
0x16: {  	_ = 	snop  }
0x17: {  	_ =	swait.ge [sflag:s19], $0x4000  }
0x18: {  	[sflag:s19] =	ssyncset.done $0x0  }
0x19: {  	[sflag:s19] =	ssyncadd.s32 $0xFFFFC000  }
.LBB2_1:
0x1a: {  	[tilespmem:s4], [sflag:$0x1] =	stream.linear.gather [hbm4b:s5+s4], $0x80, $0x38;
	[tilespmem:$0x8100] =	vst v63  }
0x1b: {  	_ =	swait.ge [sflag:s12], $0x80  }
0x1c: {  	[sflag:s12] =	ssyncset.done $0x0  }
0x1d: {  	s21 =	smov.u32 s11;
	[sflag:s12] =	ssyncadd.s32 $0xFFFFFF80  }
0x1e: {  	[tilespmem:s14], [sflag:$0x3] =	stream.indirect.gather [hbm4b:s1+s13], $0x80, s4, s13, $0xb8;
	[tilespmem:$0x8100] =	vst v63  }
0x1f: {  	s22 =	smov.u32 s10;
	s23 =	smov.u32 s9;
	s24 =	simm.s32 $0x0  }
0x20: {  	[tilespmem:s13], [sflag:$0x2] =	stream.linear.gather [hbm4b:s7+s4], $0x80, $0x38;
	[tilespmem:$0x8100] =	vst v63  }
.LBB2_2:
0x21: {  	p0 =	seq.s32 s24, $0x0  }
0x22: {  	s25 =	simm.s32 @!p0 $0x6  }
0x23: {  	_ =	swait.ge @!p0 [sflag:s25], $0x4000  }
0x24: {  	[sflag:s25] =	ssyncset.done @!p0 $0x0  }
0x25: {  	[sflag:s25] =	ssyncadd.s32 @!p0 $0xFFFFC000  }
0x26: {  	_ =	swait.ge [sflag:s15], $0x80  }
0x27: {  	p0 =	seq.s32 s24, $0x30;
	[sflag:s15] =	ssyncset.done $0x0  }
0x28: {  	s25 =	simm.s32 @p0 $0x5;
	[sflag:s15] =	ssyncadd.s32 $0xFFFFFF80  }
0x29: {  	[tilespmem:s16], [sflag:$0x4] =	stream.indirect.gather [hbm4b:s1+s13], $0x80, s13, s13, $0xb8;
	[tilespmem:$0x8100] =	vst v63  }
0x2a: {  	s26 =	sadd.s32 @!p0 s24, s6;
	s29 =	sadd.s32 @!p0 $0x100, s23;
	_ =	swait.ge [sflag:s17], $0x4000  }
0x2b: {  	s26 =	sadd.s32 @!p0 $0x2, s26;
	s29 =	sand.u32 @!p0 $0x300, s29;
	[sflag:s17] =	ssyncset.done $0x0  }
0x2c: {  	s28 =	sshll.u32 @!p0 s26, $0x4;
	s26 =	sshll.u32 @!p0 s26, $0x1;
	[sflag:s17] =	ssyncadd.s32 $0xFFFFC000  }
0x2d: {  	[hbm4b:s21+s4] =	stream.linear.scatter [tilespmem:s14], [sflag:$0x5], $0x4000, $0x38;
	[tilespmem:$0x8100] =	vst v63  }
0x2e: {  	s28 =	sand.u32 @!p0 $0xFFFFC00, s28;
	s26 =	sand.u32 @!p0 $0x70, s26;
	_ =	swait.ge @p0 [sflag:s25], $0x4000  }
0x2f: {  	s28 =	sor.u32 @!p0 s28, s29;
	s26 =	sadd.s32 @!p0 s3, s26;
	[sflag:s25] =	ssyncset.done @p0 $0x0  }
0x30: {  	[sflag:s25] =	ssyncadd.s32 @p0 $0xFFFFC000;
	s25 =	sadd.s32 @!p0 s28, s26;
	s26 =	simm.s32 @!p0 $0x0  }
0x31: {  	[tilespmem:s26], [sflag:$0x1] =	stream.linear.gather @!p0 [hbm4b:s25+s26], $0x80, $0x38;
	[tilespmem:$0x8100] =	vst v63  }
0x32: {  	s25 =	simm.s32 @!p0 $0x5  }
0x33: {  	_ =	swait.ge @!p0 [sflag:s25], $0x4000  }
0x34: {  	[sflag:s25] =	ssyncset.done @!p0 $0x0  }
0x35: {  	[sflag:s25] =	ssyncadd.s32 @!p0 $0xFFFFC000;
	s25 =	simm.s32 @!p0 $0x1  }
0x36: {  	_ =	swait.ge @!p0 [sflag:s25], $0x80  }
0x37: {  	[sflag:s25] =	ssyncset.done @!p0 $0x0  }
0x38: {  	s28 =	simm.s32 @!p0 $0x100;
	[sflag:s25] =	ssyncadd.s32 @!p0 $0xFFFFFF80;
	s25 =	simm.s32 @!p0 $0x80  }
0x39: {  	[tilespmem:s28], [sflag:$0x3] =	stream.indirect.gather @!p0 [hbm4b:s1+s25], $0x80, s26, s25, $0xb8;
	[tilespmem:$0x8100] =	vst v63  }
.Ltmp2:
0x3a: {  	_ = 	snop;
	(pc) =	sbr.rel @p0 .LBB2_4-.Ltmp2, $4  }
0x3b: {  	_ =	swait.ge [sflag:s18], $0x4000  }
0x3c: {  	[sflag:s18] =	ssyncset.done $0x0  }
0x3d: {  	[sflag:s18] =	ssyncadd.s32 $0xFFFFC000  }
0x3e: {  	[hbm4b:s22+s4] =	stream.linear.scatter [tilespmem:s16], [sflag:$0x6], $0x4000, $0x38;
	[tilespmem:$0x8100] =	vst v63  }
0x3f: {  	s25 =	sadd.s32 s24, s6  }
0x40: {  	s28 =	sadd.s32 $0x180, s23;
	s24 =	sadd.s32 $0x2, s24;
	s25 =	sadd.s32 $0x3, s25  }
.Ltmp3:
0x41: {  	s26 =	sshll.u32 s25, $0x4;
	s25 =	sshll.u32 s25, $0x1;
	(pc) =	sbr.rel .LBB2_2-.Ltmp3, $4  }
0x42: {  	s28 =	sand.u32 $0x380, s28;
	s26 =	sand.u32 $0xFFFFC00, s26;
	s25 =	sand.u32 $0x70, s25  }
0x43: {  	s23 =	sadd.s32 $0x100, s23;
	s26 =	sor.u32 s26, s28;
	s25 =	sadd.s32 s3, s25  }
0x44: {  	s22 =	sadd.s32 $0x1000, s22;
	s21 =	sadd.s32 $0x1000, s21;
	s25 =	sadd.s32 s26, s25  }
0x45: {  	[tilespmem:s13], [sflag:$0x2] =	stream.linear.gather [hbm4b:s25+s4], $0x80, $0x38;
	[tilespmem:$0x8100] =	vst v63  }
.LBB2_5:
0x46: {  	_ =	sfence.sel $0x180000  }
0x47: {  	[bflag:$0x0] =	sbarrier.arrive $0xFFFF  }
0x48: {  	p0 =	sne.s32 s0, $0x0;
	_ =	strace $0x90000047  }
0x49: {  	s0 =	sadd.s32 @!p0 $0x100000, s2;
	[bflag:$0x2] =	sbarrier.arrive $0xFFFF  }
0x4a: {  	[sflag:s0] =	ssyncadd.tile.s32 @!p0 $0x1;
	_ =	shalt  }
.Lfunc_end2:
_tile_overlayer_lowered:
.L_overlay_start_2:
0x4b: {  	(tag) =	ssettag $0x2  }
0x4c: {  	s0 =	rddreg [dreg:$0x0];
	s2 =	stileid.u32  }
0x4d: {  	s1 =	rddreg [dreg:$0x1];
	p0 =	sne.s32 s2, $0x0  }
0x4e: {  	s3 =	rddreg [dreg:$0x2];
	[bflag:$0x3] =	sbarrier.arrive $0xFFFF;
	s2 =	simm.s32 @!p0 $0x1C07  }
0x4f: {  	[timem:s3], [sflag:s2] =	dma.local @!p0 [hbm:s0], s1  }
0x50: {  	s0 =	simm.s32 @!p0 $0x7  }
0x51: {  	_ =	swait.ge @!p0 [sflag:s0], s1  }
0x52: {  	s1 =	ssub.s32 @!p0 $0x0, s1;
	[sflag:s0] =	ssyncset.done @!p0 $0x0  }
0x53: {  	[sflag:s0] =	ssyncadd.s32 @!p0 s1  }
0x54: {  	[bflag:$0x3] =	sbarrier.arrive $0xFFFF  }
0x55: {  	_ =	shalt  }

</sc_bundles>
